<compile_context>
chip_gen: v7x
topology: tpu7x:2x2x1
jax: 0.10.2.dev20260603
libtpu: 0.0.44.dev20260713+nightly
codegen_flags: <defaults>
</compile_context>

<pallas_src>
import functools

import jax
import jax.numpy as jnp
from jax.experimental import pallas as pl
from jax.experimental.pallas import tpu as pltpu

B, N, D, DE, K = 2, 512, 64, 16, 20
F32 = jnp.float32
HI = jax.lax.Precision.HIGHEST


def _dot(a, b):
    return jnp.dot(a, b, preferred_element_type=F32, precision=HI)


def _gelu_exact(x):
    return 0.5 * x * (1.0 + jax.lax.erf(x * 0.7071067811865476))


def _hpath_kernel(h_ref, lnhg_ref, lnhb_ref, lneg_ref, lneb_ref,
                  w0_ref, bng0_ref, bnb0_ref, hww0_ref, hwb0_ref,
                  w1_ref, bng1_ref, bnb1_ref, hww1_ref, hwb1_ref,
                  outh_ref, r_ref, c_ref, g_ref, hs_ref):
    iota = jax.lax.broadcasted_iota(jnp.int32, (N, N), 1)

    def edge_stage(xs, w_ref, bng_ref, bnb_ref):
        w_t = w_ref[:].T
        for b in range(B):
            x = xs[b]
            sq = jnp.sum(x * x, axis=1, keepdims=True)
            dots = jnp.dot(x, x.T, preferred_element_type=F32)
            d2 = sq + sq.T - 2.0 * dots

            def select(d2m):
                m = jnp.min(d2m, axis=1, keepdims=True)
                cand = jnp.where(d2m == m, iota, N)
                sel = jnp.min(cand, axis=1, keepdims=True)
                d2m = jnp.where(iota == sel, jnp.inf, d2m)
                return sel, d2m

            def gather_mlp(k, sel):
                onehot = (iota == sel).astype(F32)
                nb = _dot(onehot, x)
                comb = jnp.concatenate([x, nb - x], axis=1)
                hs_ref[b, k] = jnp.dot(comb, w_t, preferred_element_type=F32)

            sel0, d2 = select(d2)

            def body(k, carry):
                d2m, sel_prev = carry
                gather_mlp(k - 1, sel_prev)
                sel_new, d2m = select(d2m)
                return d2m, sel_new

            _, sel_last = jax.lax.fori_loop(
                1, K, body, (d2, sel0), unroll=False)
            gather_mlp(K - 1, sel_last)

        hall = hs_ref[:]
        cnt = float(B * K * N)
        mu = jnp.sum(hall, axis=(0, 1, 2)) / cnt
        var = jnp.sum(hall * hall, axis=(0, 1, 2)) / cnt - mu * mu
        scale = bng_ref[0] / jnp.sqrt(var + 1e-5)
        shift = bnb_ref[0] - mu * scale
        outs = []
        for b in range(B):
            def accum(k, acc):
                hk = hs_ref[b, k] * scale + shift
                return acc + _gelu_exact(hk)
            acc = jax.lax.fori_loop(0, K, accum,
                                    jnp.zeros((N, D), F32), unroll=False)
            outs.append(acc * (1.0 / K))
        return outs

    x0 = []
    for b in range(B):
        h = h_ref[b]
        mu = jnp.mean(h, axis=1, keepdims=True)
        var = jnp.mean((h - mu) ** 2, axis=1, keepdims=True)
        x0.append((h - mu) / jnp.sqrt(var + 1e-5) * lnhg_ref[0]
                  + lnhb_ref[0])

    n0 = edge_stage(x0, w0_ref, bng0_ref, bnb0_ref)
    n1 = edge_stage(n0, w1_ref, bng1_ref, bnb1_ref)

    for b in range(B):
        outh_ref[b] = n1[b]

    we0 = hww0_ref[:, :DE]
    wn1_0 = hww0_ref[:, DE:DE + D]
    wn2_0 = hww0_ref[:, DE + D:]
    we1 = hww1_ref[:, :DE]
    wn1_1 = hww1_ref[:, DE:DE + D]
    wn2_1 = hww1_ref[:, DE + D:]

    acomb = _dot(we0.T, we1.T)
    g_ref[:] = lneg_ref[0][:, None] * acomb

    m_r0 = _dot(wn2_0.T, we1.T)
    m_c0 = _dot(wn1_0.T, we1.T)
    const_r = (_dot(hwb0_ref[:], we1.T)
               + hwb1_ref[:]
               + _dot(lneb_ref[:], acomb))
    for b in range(B):
        r_ref[b] = (_dot(n0[b], m_r0)
                    + _dot(n1[b], wn2_1.T)
                    + const_r)
        c_ref[b] = (_dot(n0[b], m_c0)
                    + _dot(n1[b], wn1_1.T))


def _e_kernel(x_ref, p_ref, g_ref, rt_ref, ct_ref, o_ref):
    x = x_ref[:]
    p = p_ref[:]
    m1 = jnp.dot(x, p, preferred_element_type=F32)
    m2 = jnp.dot(x * x, p, preferred_element_type=F32)
    inv = jax.lax.rsqrt(m2 - m1 * m1 + 1e-5)
    nrm = (x - m1) * inv
    y = jnp.dot(nrm, g_ref[:], preferred_element_type=F32)
    rows = y.shape[0]
    y3 = (y.reshape(rows // 64, 64, 128)
          + rt_ref[:][:, None, :]
          + ct_ref[:])
    o_ref[:] = y3.reshape(rows, 128)


@functools.partial(jax.jit, static_argnames=())
def kernel(H, E, ln_h_g, ln_h_b, ln_e_g, ln_e_b,
           mlp_W0, bn_g0, bn_b0, hw_W0, hw_b0,
           mlp_W1, bn_g1, bn_b1, hw_W1, hw_b1):
    out_h, r_vec, c_vec, g_mat = pl.pallas_call(
        _hpath_kernel,
        out_shape=(
            jax.ShapeDtypeStruct((B, N, D), F32),
            jax.ShapeDtypeStruct((B, N, DE), F32),
            jax.ShapeDtypeStruct((B, N, DE), F32),
            jax.ShapeDtypeStruct((DE, DE), F32),
        ),
        scratch_shapes=[pltpu.VMEM((B, K, N, D), F32)],
    )(H, ln_h_g.reshape(1, D), ln_h_b.reshape(1, D),
      ln_e_g.reshape(1, DE), ln_e_b.reshape(1, DE),
      mlp_W0, bn_g0.reshape(1, D), bn_b0.reshape(1, D), hw_W0,
      hw_b0.reshape(1, DE),
      mlp_W1, bn_g1.reshape(1, D), bn_b1.reshape(1, D), hw_W1,
      hw_b1.reshape(1, DE))

    eye8 = jnp.eye(8, dtype=F32)
    p_mat = jnp.kron(eye8, jnp.full((DE, DE), 1.0 / DE, F32))
    g_bd = jnp.kron(eye8, g_mat)
    r_tiled = jnp.tile(r_vec.reshape(B * N, DE), (1, 8))
    c_tiled = c_vec.reshape(B, N * DE // 128, 128)

    rows_total = B * N * N * DE // 128
    blk = 8192
    grid = rows_total // blk
    e2d = E.reshape(rows_total, 128)

    out_e2d = pl.pallas_call(
        _e_kernel,
        grid=(grid,),
        in_specs=[
            pl.BlockSpec((blk, 128), lambda g: (g, 0)),
            pl.BlockSpec((128, 128), lambda g: (0, 0)),
            pl.BlockSpec((128, 128), lambda g: (0, 0)),
            pl.BlockSpec((blk // 64, 128), lambda g: (g, 0)),
            pl.BlockSpec((1, N * DE // 128, 128),
                         lambda g: (g // 4, 0, 0)),
        ],
        out_specs=pl.BlockSpec((blk, 128), lambda g: (g, 0)),
        out_shape=jax.ShapeDtypeStruct((rows_total, 128), F32),
    )(e2d, p_mat, g_bd, r_tiled, c_tiled)

    return out_h, out_e2d.reshape(B, N, N, DE)

# --- scband reference (transcript-rebuilt; emitter-appended) ---
"""Pipeline reference for scband-eedgcnencoder-33036888440992 (READ-ONLY COPY).

The authoritative reference and input builder live on the scoring server;
editing this copy changes nothing except your own understanding.
"""

import jax, jax.numpy as jnp
import numpy as np

B, N, D, DE, K = 2, 512, 64, 16, 20

def _layer_norm(x, g, b):
    mu = x.mean(-1, keepdims=True)
    var = ((x - mu) ** 2).mean(-1, keepdims=True)
    return (x - mu) / jnp.sqrt(var + 1e-5) * g + b

def _edgeconv(x, e, mlp_W, bn_g, bn_b, hw_W, hw_b):
    Bb, Nn, Dd = x.shape
    sq = jnp.sum(x * x, axis=-1)
    d2 = sq[:, :, None] + sq[:, None, :] - 2.0 * jnp.einsum('bnd,bmd->bnm', x, x)
    _, idx = jax.lax.top_k(-d2, K)  # k smallest distances (sqrt is monotone, same indices as cdist)
    neighbors = jax.vmap(lambda xb, ib: xb[ib])(x, idx)  # [B,N,K,D] gather
    central = jnp.broadcast_to(x[:, :, None, :], (Bb, Nn, K, Dd))
    rel = neighbors - central
    comb = jnp.concatenate([central, rel], axis=-1).reshape(-1, 2 * Dd)
    h = comb @ mlp_W.T  # Linear no bias
    mu = h.mean(axis=0)
    var = ((h - mu) ** 2).mean(axis=0)  # BatchNorm1d training-mode batch stats
    h = (h - mu) / jnp.sqrt(var + 1e-5) * bn_g + bn_b
    h = jax.nn.gelu(h, approximate=False)
    h = h.reshape(Bb, Nn, K, -1)
    n_out = h.mean(axis=2)  # avg pooling
    Do = n_out.shape[-1]
    node1 = jnp.broadcast_to(n_out[:, None, :, :], (Bb, Nn, Nn, Do))
    node2 = jnp.transpose(node1, (0, 2, 1, 3))
    cat = jnp.concatenate([e, node1, node2], axis=-1)
    e_out = cat @ hw_W.T + hw_b
    return n_out, e_out

def setup_inputs(seed: int = 0) -> dict:
    key = jax.random.key(seed)
    ks = [jax.random.fold_in(key, i) for i in range(16)]
    inp = {}
    inp['H'] = jax.random.normal(ks[0], (B, N, D), dtype=jnp.float32)
    inp['E'] = jax.random.normal(ks[1], (B, N, N, DE), dtype=jnp.float32)
    inp['ln_h_g'] = jnp.ones((D,), jnp.float32)
    inp['ln_h_b'] = jnp.zeros((D,), jnp.float32)
    inp['ln_e_g'] = jnp.ones((DE,), jnp.float32)
    inp['ln_e_b'] = jnp.zeros((DE,), jnp.float32)
    for i in range(2):
        inp[f'mlp_W{i}'] = jax.random.normal(ks[2 + 4 * i], (D, 2 * D), dtype=jnp.float32) * 0.05
        inp[f'bn_g{i}'] = jnp.ones((D,), jnp.float32)
        inp[f'bn_b{i}'] = jnp.zeros((D,), jnp.float32)
        inp[f'hw_W{i}'] = jax.random.normal(ks[3 + 4 * i], (DE, 2 * D + DE), dtype=jnp.float32) * 0.05
        inp[f'hw_b{i}'] = jnp.zeros((DE,), jnp.float32)
    return inp

def reference(H, E, ln_h_g, ln_h_b, ln_e_g, ln_e_b,
              mlp_W0, bn_g0, bn_b0, hw_W0, hw_b0,
              mlp_W1, bn_g1, bn_b1, hw_W1, hw_b1):
    out_H = _layer_norm(H, ln_h_g, ln_h_b)
    out_E = _layer_norm(E, ln_e_g, ln_e_b)
    out_H, out_E = _edgeconv(out_H, out_E, mlp_W0, bn_g0, bn_b0, hw_W0, hw_b0)
    out_H, out_E = _edgeconv(out_H, out_E, mlp_W1, bn_g1, bn_b1, hw_W1, hw_b1)
    return (out_H, out_E)

if __name__ == "__main__":
    import jax
    _d = setup_inputs()
    print(jax.jit(kernel)(*tuple(_d.values())))

</pallas_src>

<mosaic_0001>
module attributes {stable_mosaic.version = 14 : i64} {
  func.func @_hpath_kernel(%arg0: memref<2x512x64xf32, #tpu.memory_space<vmem>>, %arg1: memref<1x64xf32, #tpu.memory_space<vmem>>, %arg2: memref<1x64xf32, #tpu.memory_space<vmem>>, %arg3: memref<1x16xf32, #tpu.memory_space<vmem>>, %arg4: memref<1x16xf32, #tpu.memory_space<vmem>>, %arg5: memref<64x128xf32, #tpu.memory_space<vmem>>, %arg6: memref<1x64xf32, #tpu.memory_space<vmem>>, %arg7: memref<1x64xf32, #tpu.memory_space<vmem>>, %arg8: memref<16x144xf32, #tpu.memory_space<vmem>>, %arg9: memref<1x16xf32, #tpu.memory_space<vmem>>, %arg10: memref<64x128xf32, #tpu.memory_space<vmem>>, %arg11: memref<1x64xf32, #tpu.memory_space<vmem>>, %arg12: memref<1x64xf32, #tpu.memory_space<vmem>>, %arg13: memref<16x144xf32, #tpu.memory_space<vmem>>, %arg14: memref<1x16xf32, #tpu.memory_space<vmem>>, %arg15: memref<2x512x64xf32, #tpu.memory_space<vmem>>, %arg16: memref<2x512x16xf32, #tpu.memory_space<vmem>>, %arg17: memref<2x512x16xf32, #tpu.memory_space<vmem>>, %arg18: memref<16x16xf32, #tpu.memory_space<vmem>>, %arg19: memref<2x20x512x64xf32, #tpu.memory_space<vmem>>) attributes {dimension_semantics = [], scalar_prefetch = 0 : i64, scratch_operands = 1 : i64, tpu.core_type = #tpu.core_type<tc>} {
    %iota3A = tpu.iota {dimensions = array<i32: 1>} : vector<512x512xi32>
    %get3A = arith.constant 0 : index
    %get3A_0 = arith.constant 0 : index
    %get3A_1 = arith.constant 0 : index
    %get3A_2 = vector.load %arg0[%get3A, %get3A_0, %get3A_1] : memref<2x512x64xf32, #tpu.memory_space<vmem>>, vector<1x512x64xf32>
    %get3A_3 = vector.shape_cast %get3A_2 : vector<1x512x64xf32> to vector<512x64xf32>
    %reduce_sum3A = arith.constant dense<0.000000e+00> : vector<512xf32>
    %reduce_sum3A_4 = vector.multi_reduction <add>, %get3A_3, %reduce_sum3A [1] : vector<512x64xf32> to vector<512xf32>
    %broadcast_in_dim3A = vector.shape_cast %reduce_sum3A_4 : vector<512xf32> to vector<512x1xf32>
    %div3A = arith.constant 6.400000e+01 : f32
    %div3A_5 = vector.broadcast %div3A : f32 to vector<512x1xf32>
    %div3A_6 = arith.divf %broadcast_in_dim3A, %div3A_5 : vector<512x1xf32>
    %sub3A = vector.broadcast %div3A_6 : vector<512x1xf32> to vector<512x64xf32>
    %sub3A_7 = arith.subf %get3A_3, %sub3A : vector<512x64xf32>
    %integer_pow3A = arith.mulf %sub3A_7, %sub3A_7 : vector<512x64xf32>
    %reduce_sum3A_8 = arith.constant dense<0.000000e+00> : vector<512xf32>
    %reduce_sum3A_9 = vector.multi_reduction <add>, %integer_pow3A, %reduce_sum3A_8 [1] : vector<512x64xf32> to vector<512xf32>
    %broadcast_in_dim3A_10 = vector.shape_cast %reduce_sum3A_9 : vector<512xf32> to vector<512x1xf32>
    %div3A_11 = arith.constant 6.400000e+01 : f32
    %div3A_12 = vector.broadcast %div3A_11 : f32 to vector<512x1xf32>
    %div3A_13 = arith.divf %broadcast_in_dim3A_10, %div3A_12 : vector<512x1xf32>
    %sub3A_14 = vector.broadcast %div3A_6 : vector<512x1xf32> to vector<512x64xf32>
    %sub3A_15 = arith.subf %get3A_3, %sub3A_14 : vector<512x64xf32>
    %add3A = arith.constant 9.99999974E-6 : f32
    %add3A_16 = vector.broadcast %add3A : f32 to vector<512x1xf32>
    %add3A_17 = arith.addf %div3A_13, %add3A_16 : vector<512x1xf32>
    %sqrt3A = math.sqrt %add3A_17 : vector<512x1xf32>
    %div3A_18 = vector.broadcast %sqrt3A : vector<512x1xf32> to vector<512x64xf32>
    %div3A_19 = arith.divf %sub3A_15, %div3A_18 : vector<512x64xf32>
    %get3A_20 = arith.constant 0 : index
    %get3A_21 = arith.constant 0 : index
    %get3A_22 = vector.load %arg1[%get3A_20, %get3A_21] : memref<1x64xf32, #tpu.memory_space<vmem>>, vector<1x64xf32>
    %get3A_23 = vector.shape_cast %get3A_22 : vector<1x64xf32> to vector<64xf32>
    %broadcast_in_dim3A_24 = vector.shape_cast %get3A_23 : vector<64xf32> to vector<1x64xf32>
    %mul3A = vector.broadcast %broadcast_in_dim3A_24 : vector<1x64xf32> to vector<512x64xf32>
    %mul3A_25 = arith.mulf %div3A_19, %mul3A : vector<512x64xf32>
    %get3A_26 = arith.constant 0 : index
    %get3A_27 = arith.constant 0 : index
    %get3A_28 = vector.load %arg2[%get3A_26, %get3A_27] : memref<1x64xf32, #tpu.memory_space<vmem>>, vector<1x64xf32>
    %get3A_29 = vector.shape_cast %get3A_28 : vector<1x64xf32> to vector<64xf32>
    %broadcast_in_dim3A_30 = vector.shape_cast %get3A_29 : vector<64xf32> to vector<1x64xf32>
    %add3A_31 = vector.broadcast %broadcast_in_dim3A_30 : vector<1x64xf32> to vector<512x64xf32>
    %add3A_32 = arith.addf %mul3A_25, %add3A_31 : vector<512x64xf32>
    %get3A_33 = arith.constant 1 : index
    %get3A_34 = arith.constant 0 : index
    %get3A_35 = arith.constant 0 : index
    %get3A_36 = vector.load %arg0[%get3A_33, %get3A_34, %get3A_35] : memref<2x512x64xf32, #tpu.memory_space<vmem>>, vector<1x512x64xf32>
    %get3A_37 = vector.shape_cast %get3A_36 : vector<1x512x64xf32> to vector<512x64xf32>
    %reduce_sum3A_38 = arith.constant dense<0.000000e+00> : vector<512xf32>
    %reduce_sum3A_39 = vector.multi_reduction <add>, %get3A_37, %reduce_sum3A_38 [1] : vector<512x64xf32> to vector<512xf32>
    %broadcast_in_dim3A_40 = vector.shape_cast %reduce_sum3A_39 : vector<512xf32> to vector<512x1xf32>
    %div3A_41 = arith.constant 6.400000e+01 : f32
    %div3A_42 = vector.broadcast %div3A_41 : f32 to vector<512x1xf32>
    %div3A_43 = arith.divf %broadcast_in_dim3A_40, %div3A_42 : vector<512x1xf32>
    %sub3A_44 = vector.broadcast %div3A_43 : vector<512x1xf32> to vector<512x64xf32>
    %sub3A_45 = arith.subf %get3A_37, %sub3A_44 : vector<512x64xf32>
    %integer_pow3A_46 = arith.mulf %sub3A_45, %sub3A_45 : vector<512x64xf32>
    %reduce_sum3A_47 = arith.constant dense<0.000000e+00> : vector<512xf32>
    %reduce_sum3A_48 = vector.multi_reduction <add>, %integer_pow3A_46, %reduce_sum3A_47 [1] : vector<512x64xf32> to vector<512xf32>
    %broadcast_in_dim3A_49 = vector.shape_cast %reduce_sum3A_48 : vector<512xf32> to vector<512x1xf32>
    %div3A_50 = arith.constant 6.400000e+01 : f32
    %div3A_51 = vector.broadcast %div3A_50 : f32 to vector<512x1xf32>
    %div3A_52 = arith.divf %broadcast_in_dim3A_49, %div3A_51 : vector<512x1xf32>
    %sub3A_53 = vector.broadcast %div3A_43 : vector<512x1xf32> to vector<512x64xf32>
    %sub3A_54 = arith.subf %get3A_37, %sub3A_53 : vector<512x64xf32>
    %add3A_55 = arith.constant 9.99999974E-6 : f32
    %add3A_56 = vector.broadcast %add3A_55 : f32 to vector<512x1xf32>
    %add3A_57 = arith.addf %div3A_52, %add3A_56 : vector<512x1xf32>
    %sqrt3A_58 = math.sqrt %add3A_57 : vector<512x1xf32>
    %div3A_59 = vector.broadcast %sqrt3A_58 : vector<512x1xf32> to vector<512x64xf32>
    %div3A_60 = arith.divf %sub3A_54, %div3A_59 : vector<512x64xf32>
    %get3A_61 = arith.constant 0 : index
    %get3A_62 = arith.constant 0 : index
    %get3A_63 = vector.load %arg1[%get3A_61, %get3A_62] : memref<1x64xf32, #tpu.memory_space<vmem>>, vector<1x64xf32>
    %get3A_64 = vector.shape_cast %get3A_63 : vector<1x64xf32> to vector<64xf32>
    %broadcast_in_dim3A_65 = vector.shape_cast %get3A_64 : vector<64xf32> to vector<1x64xf32>
    %mul3A_66 = vector.broadcast %broadcast_in_dim3A_65 : vector<1x64xf32> to vector<512x64xf32>
    %mul3A_67 = arith.mulf %div3A_60, %mul3A_66 : vector<512x64xf32>
    %get3A_68 = arith.constant 0 : index
    %get3A_69 = arith.constant 0 : index
    %get3A_70 = vector.load %arg2[%get3A_68, %get3A_69] : memref<1x64xf32, #tpu.memory_space<vmem>>, vector<1x64xf32>
    %get3A_71 = vector.shape_cast %get3A_70 : vector<1x64xf32> to vector<64xf32>
    %broadcast_in_dim3A_72 = vector.shape_cast %get3A_71 : vector<64xf32> to vector<1x64xf32>
    %add3A_73 = vector.broadcast %broadcast_in_dim3A_72 : vector<1x64xf32> to vector<512x64xf32>
    %add3A_74 = arith.addf %mul3A_67, %add3A_73 : vector<512x64xf32>
    %get3A_75 = arith.constant 0 : index
    %get3A_76 = arith.constant 0 : index
    %get3A_77 = vector.load %arg5[%get3A_75, %get3A_76] : memref<64x128xf32, #tpu.memory_space<vmem>>, vector<64x128xf32>
    %transpose3A = tpu.transpose %get3A_77, [1, 0] : vector<64x128xf32> -> vector<128x64xf32>
    %mul3A_78 = arith.mulf %add3A_32, %add3A_32 : vector<512x64xf32>
    %reduce_sum3A_79 = arith.constant dense<0.000000e+00> : vector<512xf32>
    %reduce_sum3A_80 = vector.multi_reduction <add>, %mul3A_78, %reduce_sum3A_79 [1] : vector<512x64xf32> to vector<512xf32>
    %broadcast_in_dim3A_81 = vector.shape_cast %reduce_sum3A_80 : vector<512xf32> to vector<512x1xf32>
    %transpose3A_82 = tpu.transpose %add3A_32, [1, 0] : vector<512x64xf32> -> vector<64x512xf32>
    %dot_general3A = arith.constant dense<0.000000e+00> : vector<512x512xf32>
    %dot_general3A_83 = tpu.matmul %add3A_32, %transpose3A_82, %dot_general3A {dimension_numbers = #tpu.dot_dimension_numbers<[1], [0], [0], [1], [0, 0, 1, 1], [], []>, transpose_lhs_hint = false} : vector<512x64xf32>, vector<64x512xf32>, vector<512x512xf32> -> vector<512x512xf32>
    %transpose3A_84 = tpu.transpose %broadcast_in_dim3A_81, [1, 0] : vector<512x1xf32> -> vector<1x512xf32>
    %add3A_85 = vector.broadcast %broadcast_in_dim3A_81 : vector<512x1xf32> to vector<512x512xf32>
    %add3A_86 = vector.broadcast %transpose3A_84 : vector<1x512xf32> to vector<512x512xf32>
    %add3A_87 = arith.addf %add3A_85, %add3A_86 : vector<512x512xf32>
    %mul3A_88 = arith.constant 2.000000e+00 : f32
    %mul3A_89 = vector.broadcast %mul3A_88 : f32 to vector<512x512xf32>
    %mul3A_90 = arith.mulf %mul3A_89, %dot_general3A_83 : vector<512x512xf32>
    %sub3A_91 = arith.subf %add3A_87, %mul3A_90 : vector<512x512xf32>
    %reduce_min3A = arith.constant dense<0x7F800000> : vector<512xf32>
    %reduce_min3A_92 = vector.multi_reduction <minimumf>, %sub3A_91, %reduce_min3A [1] : vector<512x512xf32> to vector<512xf32>
    %broadcast_in_dim3A_93 = vector.shape_cast %reduce_min3A_92 : vector<512xf32> to vector<512x1xf32>
    %eq3A = vector.broadcast %broadcast_in_dim3A_93 : vector<512x1xf32> to vector<512x512xf32>
    %eq3A_94 = arith.cmpf oeq, %sub3A_91, %eq3A : vector<512x512xf32>
    %jit3A = arith.constant 512 : i32
    %broadcast_in_dim3A_95 = vector.broadcast %jit3A : i32 to vector<512x512xi32>
    %select_n3A = arith.select %eq3A_94, %iota3A, %broadcast_in_dim3A_95 : vector<512x512xi1>, vector<512x512xi32>
    %reduce_min3A_96 = arith.constant dense<2147483647> : vector<512xi32>
    %reduce_min3A_97 = vector.multi_reduction <minsi>, %select_n3A, %reduce_min3A_96 [1] : vector<512x512xi32> to vector<512xi32>
    %broadcast_in_dim3A_98 = vector.shape_cast %reduce_min3A_97 : vector<512xi32> to vector<512x1xi32>
    %eq3A_99 = vector.broadcast %broadcast_in_dim3A_98 : vector<512x1xi32> to vector<512x512xi32>
    %eq3A_100 = arith.cmpi eq, %iota3A, %eq3A_99 : vector<512x512xi32>
    %jit3A_101 = arith.constant 0x7F800000 : f32
    %broadcast_in_dim3A_102 = vector.broadcast %jit3A_101 : f32 to vector<512x512xf32>
    %select_n3A_103 = arith.select %eq3A_100, %broadcast_in_dim3A_102, %sub3A_91 : vector<512x512xi1>, vector<512x512xf32>
    %scan3A = arith.constant 1 : i32
    %scan3A_104 = arith.constant 19 : i32
    %scan3A_105 = arith.addi %scan3A, %scan3A_104 : i32
    %scan3A_106 = arith.constant 1 : i32
    %scan3A_107:2 = scf.for %scan3A_519 = %scan3A to %scan3A_105 step %scan3A_106 iter_args(%scan3A_520 = %select_n3A_103, %scan3A_521 = %broadcast_in_dim3A_98) -> (vector<512x512xf32>, vector<512x1xi32>)  : i32 {
      %sub3A_522 = arith.constant 1 : i32
      %sub3A_523 = arith.subi %scan3A_519, %sub3A_522 : i32
      %eq3A_524 = vector.broadcast %scan3A_521 : vector<512x1xi32> to vector<512x512xi32>
      %eq3A_525 = arith.cmpi eq, %iota3A, %eq3A_524 : vector<512x512xi32>
      %convert_element_type3A_526 = arith.extui %eq3A_525 : vector<512x512xi1> to vector<512x512xi32>
      %convert_element_type3A_527 = arith.sitofp %convert_element_type3A_526 : vector<512x512xi32> to vector<512x512xf32>
      %dot_general3A_528 = arith.constant dense<0.000000e+00> : vector<512x64xf32>
      %dot_general3A_529 = tpu.matmul %convert_element_type3A_527, %add3A_32, %dot_general3A_528 {dimension_numbers = #tpu.dot_dimension_numbers<[1], [0], [0], [1], [0, 0, 1, 1], [], []>, precision = #tpu.contract_precision<fp32>, transpose_lhs_hint = false} : vector<512x512xf32>, vector<512x64xf32>, vector<512x64xf32> -> vector<512x64xf32>
      %sub3A_530 = arith.subf %dot_general3A_529, %add3A_32 : vector<512x64xf32>
      %concatenate3A_531 = tpu.concatenate %add3A_32, %sub3A_530 in 1 : vector<512x64xf32>, vector<512x64xf32> -> vector<512x128xf32>
      %dot_general3A_532 = arith.constant dense<0.000000e+00> : vector<512x64xf32>
      %dot_general3A_533 = tpu.matmul %concatenate3A_531, %transpose3A, %dot_general3A_532 {dimension_numbers = #tpu.dot_dimension_numbers<[1], [0], [0], [1], [0, 0, 1, 1], [], []>, transpose_lhs_hint = false} : vector<512x128xf32>, vector<128x64xf32>, vector<512x64xf32> -> vector<512x64xf32>
      %swap3A_534 = arith.constant 0 : index
      %swap3A_535 = arith.index_cast %sub3A_523 : i32 to index
      %swap3A_536 = arith.constant 0 : index
      %swap3A_537 = arith.constant 0 : index
      %swap3A_538 = vector.load %arg19[%swap3A_534, %swap3A_535, %swap3A_536, %swap3A_537] : memref<2x20x512x64xf32, #tpu.memory_space<vmem>>, vector<1x1x512x64xf32>
      %swap3A_539 = vector.shape_cast %swap3A_538 : vector<1x1x512x64xf32> to vector<512x64xf32>
      %swap3A_540 = vector.shape_cast %dot_general3A_533 : vector<512x64xf32> to vector<1x1x512x64xf32>
      tpu.vector_store %arg19[%swap3A_534, %swap3A_535, %swap3A_536, %swap3A_537], %swap3A_540 {strides = array<i32>} : memref<2x20x512x64xf32, #tpu.memory_space<vmem>>, vector<1x1x512x64xf32>,
      %reduce_min3A_541 = arith.constant dense<0x7F800000> : vector<512xf32>
      %reduce_min3A_542 = vector.multi_reduction <minimumf>, %scan3A_520, %reduce_min3A_541 [1] : vector<512x512xf32> to vector<512xf32>
      %broadcast_in_dim3A_543 = vector.shape_cast %reduce_min3A_542 : vector<512xf32> to vector<512x1xf32>
      %eq3A_544 = vector.broadcast %broadcast_in_dim3A_543 : vector<512x1xf32> to vector<512x512xf32>
      %eq3A_545 = arith.cmpf oeq, %scan3A_520, %eq3A_544 : vector<512x512xf32>
      %jit3A_546 = arith.constant 512 : i32
      %broadcast_in_dim3A_547 = vector.broadcast %jit3A_546 : i32 to vector<512x512xi32>
      %select_n3A_548 = arith.select %eq3A_545, %iota3A, %broadcast_in_dim3A_547 : vector<512x512xi1>, vector<512x512xi32>
      %reduce_min3A_549 = arith.constant dense<2147483647> : vector<512xi32>
      %reduce_min3A_550 = vector.multi_reduction <minsi>, %select_n3A_548, %reduce_min3A_549 [1] : vector<512x512xi32> to vector<512xi32>
      %broadcast_in_dim3A_551 = vector.shape_cast %reduce_min3A_550 : vector<512xi32> to vector<512x1xi32>
      %eq3A_552 = vector.broadcast %broadcast_in_dim3A_551 : vector<512x1xi32> to vector<512x512xi32>
      %eq3A_553 = arith.cmpi eq, %iota3A, %eq3A_552 : vector<512x512xi32>
      %jit3A_554 = arith.constant 0x7F800000 : f32
      %broadcast_in_dim3A_555 = vector.broadcast %jit3A_554 : f32 to vector<512x512xf32>
      %select_n3A_556 = arith.select %eq3A_553, %broadcast_in_dim3A_555, %scan3A_520 : vector<512x512xi1>, vector<512x512xf32>
      scf.yield %select_n3A_556, %broadcast_in_dim3A_551 : vector<512x512xf32>, vector<512x1xi32>
    }
    %scan3A_108 = arith.constant 19 : i32
    %eq3A_109 = vector.broadcast %scan3A_107#1 : vector<512x1xi32> to vector<512x512xi32>
    %eq3A_110 = arith.cmpi eq, %iota3A, %eq3A_109 : vector<512x512xi32>
    %convert_element_type3A = arith.extui %eq3A_110 : vector<512x512xi1> to vector<512x512xi32>
    %convert_element_type3A_111 = arith.sitofp %convert_element_type3A : vector<512x512xi32> to vector<512x512xf32>
    %dot_general3A_112 = arith.constant dense<0.000000e+00> : vector<512x64xf32>
    %dot_general3A_113 = tpu.matmul %convert_element_type3A_111, %add3A_32, %dot_general3A_112 {dimension_numbers = #tpu.dot_dimension_numbers<[1], [0], [0], [1], [0, 0, 1, 1], [], []>, precision = #tpu.contract_precision<fp32>, transpose_lhs_hint = false} : vector<512x512xf32>, vector<512x64xf32>, vector<512x64xf32> -> vector<512x64xf32>
    %sub3A_114 = arith.subf %dot_general3A_113, %add3A_32 : vector<512x64xf32>
    %concatenate3A = tpu.concatenate %add3A_32, %sub3A_114 in 1 : vector<512x64xf32>, vector<512x64xf32> -> vector<512x128xf32>
    %dot_general3A_115 = arith.constant dense<0.000000e+00> : vector<512x64xf32>
    %dot_general3A_116 = tpu.matmul %concatenate3A, %transpose3A, %dot_general3A_115 {dimension_numbers = #tpu.dot_dimension_numbers<[1], [0], [0], [1], [0, 0, 1, 1], [], []>, transpose_lhs_hint = false} : vector<512x128xf32>, vector<128x64xf32>, vector<512x64xf32> -> vector<512x64xf32>
    %swap3A = arith.constant 0 : index
    %swap3A_117 = arith.constant 19 : index
    %swap3A_118 = arith.constant 0 : index
    %swap3A_119 = arith.constant 0 : index
    %swap3A_120 = vector.load %arg19[%swap3A, %swap3A_117, %swap3A_118, %swap3A_119] : memref<2x20x512x64xf32, #tpu.memory_space<vmem>>, vector<1x1x512x64xf32>
    %swap3A_121 = vector.shape_cast %swap3A_120 : vector<1x1x512x64xf32> to vector<512x64xf32>
    %swap3A_122 = vector.shape_cast %dot_general3A_116 : vector<512x64xf32> to vector<1x1x512x64xf32>
    tpu.vector_store %arg19[%swap3A, %swap3A_117, %swap3A_118, %swap3A_119], %swap3A_122 {strides = array<i32>} : memref<2x20x512x64xf32, #tpu.memory_space<vmem>>, vector<1x1x512x64xf32>,
    %mul3A_123 = arith.mulf %add3A_74, %add3A_74 : vector<512x64xf32>
    %reduce_sum3A_124 = arith.constant dense<0.000000e+00> : vector<512xf32>
    %reduce_sum3A_125 = vector.multi_reduction <add>, %mul3A_123, %reduce_sum3A_124 [1] : vector<512x64xf32> to vector<512xf32>
    %broadcast_in_dim3A_126 = vector.shape_cast %reduce_sum3A_125 : vector<512xf32> to vector<512x1xf32>
    %transpose3A_127 = tpu.transpose %add3A_74, [1, 0] : vector<512x64xf32> -> vector<64x512xf32>
    %dot_general3A_128 = arith.constant dense<0.000000e+00> : vector<512x512xf32>
    %dot_general3A_129 = tpu.matmul %add3A_74, %transpose3A_127, %dot_general3A_128 {dimension_numbers = #tpu.dot_dimension_numbers<[1], [0], [0], [1], [0, 0, 1, 1], [], []>, transpose_lhs_hint = false} : vector<512x64xf32>, vector<64x512xf32>, vector<512x512xf32> -> vector<512x512xf32>
    %transpose3A_130 = tpu.transpose %broadcast_in_dim3A_126, [1, 0] : vector<512x1xf32> -> vector<1x512xf32>
    %add3A_131 = vector.broadcast %broadcast_in_dim3A_126 : vector<512x1xf32> to vector<512x512xf32>
    %add3A_132 = vector.broadcast %transpose3A_130 : vector<1x512xf32> to vector<512x512xf32>
    %add3A_133 = arith.addf %add3A_131, %add3A_132 : vector<512x512xf32>
    %mul3A_134 = arith.constant 2.000000e+00 : f32
    %mul3A_135 = vector.broadcast %mul3A_134 : f32 to vector<512x512xf32>
    %mul3A_136 = arith.mulf %mul3A_135, %dot_general3A_129 : vector<512x512xf32>
    %sub3A_137 = arith.subf %add3A_133, %mul3A_136 : vector<512x512xf32>
    %reduce_min3A_138 = arith.constant dense<0x7F800000> : vector<512xf32>
    %reduce_min3A_139 = vector.multi_reduction <minimumf>, %sub3A_137, %reduce_min3A_138 [1] : vector<512x512xf32> to vector<512xf32>
    %broadcast_in_dim3A_140 = vector.shape_cast %reduce_min3A_139 : vector<512xf32> to vector<512x1xf32>
    %eq3A_141 = vector.broadcast %broadcast_in_dim3A_140 : vector<512x1xf32> to vector<512x512xf32>
    %eq3A_142 = arith.cmpf oeq, %sub3A_137, %eq3A_141 : vector<512x512xf32>
    %jit3A_143 = arith.constant 512 : i32
    %broadcast_in_dim3A_144 = vector.broadcast %jit3A_143 : i32 to vector<512x512xi32>
    %select_n3A_145 = arith.select %eq3A_142, %iota3A, %broadcast_in_dim3A_144 : vector<512x512xi1>, vector<512x512xi32>
    %reduce_min3A_146 = arith.constant dense<2147483647> : vector<512xi32>
    %reduce_min3A_147 = vector.multi_reduction <minsi>, %select_n3A_145, %reduce_min3A_146 [1] : vector<512x512xi32> to vector<512xi32>
    %broadcast_in_dim3A_148 = vector.shape_cast %reduce_min3A_147 : vector<512xi32> to vector<512x1xi32>
    %eq3A_149 = vector.broadcast %broadcast_in_dim3A_148 : vector<512x1xi32> to vector<512x512xi32>
    %eq3A_150 = arith.cmpi eq, %iota3A, %eq3A_149 : vector<512x512xi32>
    %jit3A_151 = arith.constant 0x7F800000 : f32
    %broadcast_in_dim3A_152 = vector.broadcast %jit3A_151 : f32 to vector<512x512xf32>
    %select_n3A_153 = arith.select %eq3A_150, %broadcast_in_dim3A_152, %sub3A_137 : vector<512x512xi1>, vector<512x512xf32>
    %scan3A_154 = arith.constant 1 : i32
    %scan3A_155 = arith.constant 19 : i32
    %scan3A_156 = arith.addi %scan3A_154, %scan3A_155 : i32
    %scan3A_157 = arith.constant 1 : i32
    %scan3A_158:2 = scf.for %scan3A_519 = %scan3A_154 to %scan3A_156 step %scan3A_157 iter_args(%scan3A_520 = %select_n3A_153, %scan3A_521 = %broadcast_in_dim3A_148) -> (vector<512x512xf32>, vector<512x1xi32>)  : i32 {
      %sub3A_522 = arith.constant 1 : i32
      %sub3A_523 = arith.subi %scan3A_519, %sub3A_522 : i32
      %eq3A_524 = vector.broadcast %scan3A_521 : vector<512x1xi32> to vector<512x512xi32>
      %eq3A_525 = arith.cmpi eq, %iota3A, %eq3A_524 : vector<512x512xi32>
      %convert_element_type3A_526 = arith.extui %eq3A_525 : vector<512x512xi1> to vector<512x512xi32>
      %convert_element_type3A_527 = arith.sitofp %convert_element_type3A_526 : vector<512x512xi32> to vector<512x512xf32>
      %dot_general3A_528 = arith.constant dense<0.000000e+00> : vector<512x64xf32>
      %dot_general3A_529 = tpu.matmul %convert_element_type3A_527, %add3A_74, %dot_general3A_528 {dimension_numbers = #tpu.dot_dimension_numbers<[1], [0], [0], [1], [0, 0, 1, 1], [], []>, precision = #tpu.contract_precision<fp32>, transpose_lhs_hint = false} : vector<512x512xf32>, vector<512x64xf32>, vector<512x64xf32> -> vector<512x64xf32>
      %sub3A_530 = arith.subf %dot_general3A_529, %add3A_74 : vector<512x64xf32>
      %concatenate3A_531 = tpu.concatenate %add3A_74, %sub3A_530 in 1 : vector<512x64xf32>, vector<512x64xf32> -> vector<512x128xf32>
      %dot_general3A_532 = arith.constant dense<0.000000e+00> : vector<512x64xf32>
      %dot_general3A_533 = tpu.matmul %concatenate3A_531, %transpose3A, %dot_general3A_532 {dimension_numbers = #tpu.dot_dimension_numbers<[1], [0], [0], [1], [0, 0, 1, 1], [], []>, transpose_lhs_hint = false} : vector<512x128xf32>, vector<128x64xf32>, vector<512x64xf32> -> vector<512x64xf32>
      %swap3A_534 = arith.constant 1 : index
      %swap3A_535 = arith.index_cast %sub3A_523 : i32 to index
      %swap3A_536 = arith.constant 0 : index
      %swap3A_537 = arith.constant 0 : index
      %swap3A_538 = vector.load %arg19[%swap3A_534, %swap3A_535, %swap3A_536, %swap3A_537] : memref<2x20x512x64xf32, #tpu.memory_space<vmem>>, vector<1x1x512x64xf32>
      %swap3A_539 = vector.shape_cast %swap3A_538 : vector<1x1x512x64xf32> to vector<512x64xf32>
      %swap3A_540 = vector.shape_cast %dot_general3A_533 : vector<512x64xf32> to vector<1x1x512x64xf32>
      tpu.vector_store %arg19[%swap3A_534, %swap3A_535, %swap3A_536, %swap3A_537], %swap3A_540 {strides = array<i32>} : memref<2x20x512x64xf32, #tpu.memory_space<vmem>>, vector<1x1x512x64xf32>,
      %reduce_min3A_541 = arith.constant dense<0x7F800000> : vector<512xf32>
      %reduce_min3A_542 = vector.multi_reduction <minimumf>, %scan3A_520, %reduce_min3A_541 [1] : vector<512x512xf32> to vector<512xf32>
      %broadcast_in_dim3A_543 = vector.shape_cast %reduce_min3A_542 : vector<512xf32> to vector<512x1xf32>
      %eq3A_544 = vector.broadcast %broadcast_in_dim3A_543 : vector<512x1xf32> to vector<512x512xf32>
      %eq3A_545 = arith.cmpf oeq, %scan3A_520, %eq3A_544 : vector<512x512xf32>
      %jit3A_546 = arith.constant 512 : i32
      %broadcast_in_dim3A_547 = vector.broadcast %jit3A_546 : i32 to vector<512x512xi32>
      %select_n3A_548 = arith.select %eq3A_545, %iota3A, %broadcast_in_dim3A_547 : vector<512x512xi1>, vector<512x512xi32>
      %reduce_min3A_549 = arith.constant dense<2147483647> : vector<512xi32>
      %reduce_min3A_550 = vector.multi_reduction <minsi>, %select_n3A_548, %reduce_min3A_549 [1] : vector<512x512xi32> to vector<512xi32>
      %broadcast_in_dim3A_551 = vector.shape_cast %reduce_min3A_550 : vector<512xi32> to vector<512x1xi32>
      %eq3A_552 = vector.broadcast %broadcast_in_dim3A_551 : vector<512x1xi32> to vector<512x512xi32>
      %eq3A_553 = arith.cmpi eq, %iota3A, %eq3A_552 : vector<512x512xi32>
      %jit3A_554 = arith.constant 0x7F800000 : f32
      %broadcast_in_dim3A_555 = vector.broadcast %jit3A_554 : f32 to vector<512x512xf32>
      %select_n3A_556 = arith.select %eq3A_553, %broadcast_in_dim3A_555, %scan3A_520 : vector<512x512xi1>, vector<512x512xf32>
      scf.yield %select_n3A_556, %broadcast_in_dim3A_551 : vector<512x512xf32>, vector<512x1xi32>
    }
    %scan3A_159 = arith.constant 19 : i32
    %eq3A_160 = vector.broadcast %scan3A_158#1 : vector<512x1xi32> to vector<512x512xi32>
    %eq3A_161 = arith.cmpi eq, %iota3A, %eq3A_160 : vector<512x512xi32>
    %convert_element_type3A_162 = arith.extui %eq3A_161 : vector<512x512xi1> to vector<512x512xi32>
    %convert_element_type3A_163 = arith.sitofp %convert_element_type3A_162 : vector<512x512xi32> to vector<512x512xf32>
    %dot_general3A_164 = arith.constant dense<0.000000e+00> : vector<512x64xf32>
    %dot_general3A_165 = tpu.matmul %convert_element_type3A_163, %add3A_74, %dot_general3A_164 {dimension_numbers = #tpu.dot_dimension_numbers<[1], [0], [0], [1], [0, 0, 1, 1], [], []>, precision = #tpu.contract_precision<fp32>, transpose_lhs_hint = false} : vector<512x512xf32>, vector<512x64xf32>, vector<512x64xf32> -> vector<512x64xf32>
    %sub3A_166 = arith.subf %dot_general3A_165, %add3A_74 : vector<512x64xf32>
    %concatenate3A_167 = tpu.concatenate %add3A_74, %sub3A_166 in 1 : vector<512x64xf32>, vector<512x64xf32> -> vector<512x128xf32>
    %dot_general3A_168 = arith.constant dense<0.000000e+00> : vector<512x64xf32>
    %dot_general3A_169 = tpu.matmul %concatenate3A_167, %transpose3A, %dot_general3A_168 {dimension_numbers = #tpu.dot_dimension_numbers<[1], [0], [0], [1], [0, 0, 1, 1], [], []>, transpose_lhs_hint = false} : vector<512x128xf32>, vector<128x64xf32>, vector<512x64xf32> -> vector<512x64xf32>
    %swap3A_170 = arith.constant 1 : index
    %swap3A_171 = arith.constant 19 : index
    %swap3A_172 = arith.constant 0 : index
    %swap3A_173 = arith.constant 0 : index
    %swap3A_174 = vector.load %arg19[%swap3A_170, %swap3A_171, %swap3A_172, %swap3A_173] : memref<2x20x512x64xf32, #tpu.memory_space<vmem>>, vector<1x1x512x64xf32>
    %swap3A_175 = vector.shape_cast %swap3A_174 : vector<1x1x512x64xf32> to vector<512x64xf32>
    %swap3A_176 = vector.shape_cast %dot_general3A_169 : vector<512x64xf32> to vector<1x1x512x64xf32>
    tpu.vector_store %arg19[%swap3A_170, %swap3A_171, %swap3A_172, %swap3A_173], %swap3A_176 {strides = array<i32>} : memref<2x20x512x64xf32, #tpu.memory_space<vmem>>, vector<1x1x512x64xf32>,
    %get3A_177 = arith.constant 0 : index
    %get3A_178 = arith.constant 0 : index
    %get3A_179 = arith.constant 0 : index
    %get3A_180 = arith.constant 0 : index
    %get3A_181 = vector.load %arg19[%get3A_177, %get3A_178, %get3A_179, %get3A_180] : memref<2x20x512x64xf32, #tpu.memory_space<vmem>>, vector<2x20x512x64xf32>
    %reduce_sum3A_182 = arith.constant dense<0.000000e+00> : vector<64xf32>
    %reduce_sum3A_183 = vector.multi_reduction <add>, %get3A_181, %reduce_sum3A_182 [0, 1, 2] : vector<2x20x512x64xf32> to vector<64xf32>
    %div3A_184 = arith.constant 2.048000e+04 : f32
    %div3A_185 = vector.broadcast %div3A_184 : f32 to vector<64xf32>
    %div3A_186 = arith.divf %reduce_sum3A_183, %div3A_185 : vector<64xf32>
    %mul3A_187 = arith.mulf %get3A_181, %get3A_181 : vector<2x20x512x64xf32>
    %reduce_sum3A_188 = arith.constant dense<0.000000e+00> : vector<64xf32>
    %reduce_sum3A_189 = vector.multi_reduction <add>, %mul3A_187, %reduce_sum3A_188 [0, 1, 2] : vector<2x20x512x64xf32> to vector<64xf32>
    %div3A_190 = arith.constant 2.048000e+04 : f32
    %div3A_191 = vector.broadcast %div3A_190 : f32 to vector<64xf32>
    %div3A_192 = arith.divf %reduce_sum3A_189, %div3A_191 : vector<64xf32>
    %mul3A_193 = arith.mulf %div3A_186, %div3A_186 : vector<64xf32>
    %sub3A_194 = arith.subf %div3A_192, %mul3A_193 : vector<64xf32>
    %get3A_195 = arith.constant 0 : index
    %get3A_196 = arith.constant 0 : index
    %get3A_197 = vector.load %arg6[%get3A_195, %get3A_196] : memref<1x64xf32, #tpu.memory_space<vmem>>, vector<1x64xf32>
    %get3A_198 = vector.shape_cast %get3A_197 : vector<1x64xf32> to vector<64xf32>
    %add3A_199 = arith.constant 9.99999974E-6 : f32
    %add3A_200 = vector.broadcast %add3A_199 : f32 to vector<64xf32>
    %add3A_201 = arith.addf %sub3A_194, %add3A_200 : vector<64xf32>
    %sqrt3A_202 = math.sqrt %add3A_201 : vector<64xf32>
    %div3A_203 = arith.divf %get3A_198, %sqrt3A_202 : vector<64xf32>
    %get3A_204 = arith.constant 0 : index
    %get3A_205 = arith.constant 0 : index
    %get3A_206 = vector.load %arg7[%get3A_204, %get3A_205] : memref<1x64xf32, #tpu.memory_space<vmem>>, vector<1x64xf32>
    %get3A_207 = vector.shape_cast %get3A_206 : vector<1x64xf32> to vector<64xf32>
    %mul3A_208 = arith.mulf %div3A_186, %div3A_203 : vector<64xf32>
    %sub3A_209 = arith.subf %get3A_207, %mul3A_208 : vector<64xf32>
    %broadcast_in_dim3A_210 = arith.constant 0.000000e+00 : f32
    %broadcast_in_dim3A_211 = vector.broadcast %broadcast_in_dim3A_210 : f32 to vector<512x64xf32>
    %scan3A_212 = arith.constant 0 : i32
    %scan3A_213 = arith.constant 20 : i32
    %scan3A_214 = arith.addi %scan3A_212, %scan3A_213 : i32
    %scan3A_215 = arith.constant 1 : i32
    %scan3A_216 = scf.for %scan3A_519 = %scan3A_212 to %scan3A_214 step %scan3A_215 iter_args(%scan3A_520 = %broadcast_in_dim3A_211) -> (vector<512x64xf32>)  : i32 {
      %get3A_521 = arith.constant 0 : index
      %get3A_522 = arith.index_cast %scan3A_519 : i32 to index
      %get3A_523 = arith.constant 0 : index
      %get3A_524 = arith.constant 0 : index
      %get3A_525 = vector.load %arg19[%get3A_521, %get3A_522, %get3A_523, %get3A_524] : memref<2x20x512x64xf32, #tpu.memory_space<vmem>>, vector<1x1x512x64xf32>
      %get3A_526 = vector.shape_cast %get3A_525 : vector<1x1x512x64xf32> to vector<512x64xf32>
      %broadcast_in_dim3A_527 = vector.shape_cast %div3A_203 : vector<64xf32> to vector<1x64xf32>
      %mul3A_528 = vector.broadcast %broadcast_in_dim3A_527 : vector<1x64xf32> to vector<512x64xf32>
      %mul3A_529 = arith.mulf %get3A_526, %mul3A_528 : vector<512x64xf32>
      %broadcast_in_dim3A_530 = vector.shape_cast %sub3A_209 : vector<64xf32> to vector<1x64xf32>
      %add3A_531 = vector.broadcast %broadcast_in_dim3A_530 : vector<1x64xf32> to vector<512x64xf32>
      %add3A_532 = arith.addf %mul3A_529, %add3A_531 : vector<512x64xf32>
      %mul3A_533 = arith.constant 5.000000e-01 : f32
      %mul3A_534 = vector.broadcast %mul3A_533 : f32 to vector<512x64xf32>
      %mul3A_535 = arith.mulf %mul3A_534, %add3A_532 : vector<512x64xf32>
      %mul3A_536 = arith.constant 0.707106769 : f32
      %mul3A_537 = vector.broadcast %mul3A_536 : f32 to vector<512x64xf32>
      %mul3A_538 = arith.mulf %add3A_532, %mul3A_537 : vector<512x64xf32>
      %erf3A = math.erf %mul3A_538 : vector<512x64xf32>
      %add3A_539 = arith.constant 1.000000e+00 : f32
      %add3A_540 = vector.broadcast %add3A_539 : f32 to vector<512x64xf32>
      %add3A_541 = arith.addf %add3A_540, %erf3A : vector<512x64xf32>
      %mul3A_542 = arith.mulf %mul3A_535, %add3A_541 : vector<512x64xf32>
      %add3A_543 = arith.addf %scan3A_520, %mul3A_542 : vector<512x64xf32>
      scf.yield %add3A_543 : vector<512x64xf32>
    }
    %scan3A_217 = arith.constant 20 : i32
    %mul3A_218 = arith.constant 5.000000e-02 : f32
    %mul3A_219 = vector.broadcast %mul3A_218 : f32 to vector<512x64xf32>
    %mul3A_220 = arith.mulf %scan3A_216, %mul3A_219 : vector<512x64xf32>
    %broadcast_in_dim3A_221 = arith.constant 0.000000e+00 : f32
    %broadcast_in_dim3A_222 = vector.broadcast %broadcast_in_dim3A_221 : f32 to vector<512x64xf32>
    %scan3A_223 = arith.constant 0 : i32
    %scan3A_224 = arith.constant 20 : i32
    %scan3A_225 = arith.addi %scan3A_223, %scan3A_224 : i32
    %scan3A_226 = arith.constant 1 : i32
    %scan3A_227 = scf.for %scan3A_519 = %scan3A_223 to %scan3A_225 step %scan3A_226 iter_args(%scan3A_520 = %broadcast_in_dim3A_222) -> (vector<512x64xf32>)  : i32 {
      %get3A_521 = arith.constant 1 : index
      %get3A_522 = arith.index_cast %scan3A_519 : i32 to index
      %get3A_523 = arith.constant 0 : index
      %get3A_524 = arith.constant 0 : index
      %get3A_525 = vector.load %arg19[%get3A_521, %get3A_522, %get3A_523, %get3A_524] : memref<2x20x512x64xf32, #tpu.memory_space<vmem>>, vector<1x1x512x64xf32>
      %get3A_526 = vector.shape_cast %get3A_525 : vector<1x1x512x64xf32> to vector<512x64xf32>
      %broadcast_in_dim3A_527 = vector.shape_cast %div3A_203 : vector<64xf32> to vector<1x64xf32>
      %mul3A_528 = vector.broadcast %broadcast_in_dim3A_527 : vector<1x64xf32> to vector<512x64xf32>
      %mul3A_529 = arith.mulf %get3A_526, %mul3A_528 : vector<512x64xf32>
      %broadcast_in_dim3A_530 = vector.shape_cast %sub3A_209 : vector<64xf32> to vector<1x64xf32>
      %add3A_531 = vector.broadcast %broadcast_in_dim3A_530 : vector<1x64xf32> to vector<512x64xf32>
      %add3A_532 = arith.addf %mul3A_529, %add3A_531 : vector<512x64xf32>
      %mul3A_533 = arith.constant 5.000000e-01 : f32
      %mul3A_534 = vector.broadcast %mul3A_533 : f32 to vector<512x64xf32>
      %mul3A_535 = arith.mulf %mul3A_534, %add3A_532 : vector<512x64xf32>
      %mul3A_536 = arith.constant 0.707106769 : f32
      %mul3A_537 = vector.broadcast %mul3A_536 : f32 to vector<512x64xf32>
      %mul3A_538 = arith.mulf %add3A_532, %mul3A_537 : vector<512x64xf32>
      %erf3A = math.erf %mul3A_538 : vector<512x64xf32>
      %add3A_539 = arith.constant 1.000000e+00 : f32
      %add3A_540 = vector.broadcast %add3A_539 : f32 to vector<512x64xf32>
      %add3A_541 = arith.addf %add3A_540, %erf3A : vector<512x64xf32>
      %mul3A_542 = arith.mulf %mul3A_535, %add3A_541 : vector<512x64xf32>
      %add3A_543 = arith.addf %scan3A_520, %mul3A_542 : vector<512x64xf32>
      scf.yield %add3A_543 : vector<512x64xf32>
    }
    %scan3A_228 = arith.constant 20 : i32
    %mul3A_229 = arith.constant 5.000000e-02 : f32
    %mul3A_230 = vector.broadcast %mul3A_229 : f32 to vector<512x64xf32>
    %mul3A_231 = arith.mulf %scan3A_227, %mul3A_230 : vector<512x64xf32>
    %get3A_232 = arith.constant 0 : index
    %get3A_233 = arith.constant 0 : index
    %get3A_234 = vector.load %arg10[%get3A_232, %get3A_233] : memref<64x128xf32, #tpu.memory_space<vmem>>, vector<64x128xf32>
    %transpose3A_235 = tpu.transpose %get3A_234, [1, 0] : vector<64x128xf32> -> vector<128x64xf32>
    %mul3A_236 = arith.mulf %mul3A_220, %mul3A_220 : vector<512x64xf32>
    %reduce_sum3A_237 = arith.constant dense<0.000000e+00> : vector<512xf32>
    %reduce_sum3A_238 = vector.multi_reduction <add>, %mul3A_236, %reduce_sum3A_237 [1] : vector<512x64xf32> to vector<512xf32>
    %broadcast_in_dim3A_239 = vector.shape_cast %reduce_sum3A_238 : vector<512xf32> to vector<512x1xf32>
    %transpose3A_240 = tpu.transpose %mul3A_220, [1, 0] : vector<512x64xf32> -> vector<64x512xf32>
    %dot_general3A_241 = arith.constant dense<0.000000e+00> : vector<512x512xf32>
    %dot_general3A_242 = tpu.matmul %mul3A_220, %transpose3A_240, %dot_general3A_241 {dimension_numbers = #tpu.dot_dimension_numbers<[1], [0], [0], [1], [0, 0, 1, 1], [], []>, transpose_lhs_hint = false} : vector<512x64xf32>, vector<64x512xf32>, vector<512x512xf32> -> vector<512x512xf32>
    %transpose3A_243 = tpu.transpose %broadcast_in_dim3A_239, [1, 0] : vector<512x1xf32> -> vector<1x512xf32>
    %add3A_244 = vector.broadcast %broadcast_in_dim3A_239 : vector<512x1xf32> to vector<512x512xf32>
    %add3A_245 = vector.broadcast %transpose3A_243 : vector<1x512xf32> to vector<512x512xf32>
    %add3A_246 = arith.addf %add3A_244, %add3A_245 : vector<512x512xf32>
    %mul3A_247 = arith.constant 2.000000e+00 : f32
    %mul3A_248 = vector.broadcast %mul3A_247 : f32 to vector<512x512xf32>
    %mul3A_249 = arith.mulf %mul3A_248, %dot_general3A_242 : vector<512x512xf32>
    %sub3A_250 = arith.subf %add3A_246, %mul3A_249 : vector<512x512xf32>
    %reduce_min3A_251 = arith.constant dense<0x7F800000> : vector<512xf32>
    %reduce_min3A_252 = vector.multi_reduction <minimumf>, %sub3A_250, %reduce_min3A_251 [1] : vector<512x512xf32> to vector<512xf32>
    %broadcast_in_dim3A_253 = vector.shape_cast %reduce_min3A_252 : vector<512xf32> to vector<512x1xf32>
    %eq3A_254 = vector.broadcast %broadcast_in_dim3A_253 : vector<512x1xf32> to vector<512x512xf32>
    %eq3A_255 = arith.cmpf oeq, %sub3A_250, %eq3A_254 : vector<512x512xf32>
    %jit3A_256 = arith.constant 512 : i32
    %broadcast_in_dim3A_257 = vector.broadcast %jit3A_256 : i32 to vector<512x512xi32>
    %select_n3A_258 = arith.select %eq3A_255, %iota3A, %broadcast_in_dim3A_257 : vector<512x512xi1>, vector<512x512xi32>
    %reduce_min3A_259 = arith.constant dense<2147483647> : vector<512xi32>
    %reduce_min3A_260 = vector.multi_reduction <minsi>, %select_n3A_258, %reduce_min3A_259 [1] : vector<512x512xi32> to vector<512xi32>
    %broadcast_in_dim3A_261 = vector.shape_cast %reduce_min3A_260 : vector<512xi32> to vector<512x1xi32>
    %eq3A_262 = vector.broadcast %broadcast_in_dim3A_261 : vector<512x1xi32> to vector<512x512xi32>
    %eq3A_263 = arith.cmpi eq, %iota3A, %eq3A_262 : vector<512x512xi32>
    %jit3A_264 = arith.constant 0x7F800000 : f32
    %broadcast_in_dim3A_265 = vector.broadcast %jit3A_264 : f32 to vector<512x512xf32>
    %select_n3A_266 = arith.select %eq3A_263, %broadcast_in_dim3A_265, %sub3A_250 : vector<512x512xi1>, vector<512x512xf32>
    %scan3A_267 = arith.constant 1 : i32
    %scan3A_268 = arith.constant 19 : i32
    %scan3A_269 = arith.addi %scan3A_267, %scan3A_268 : i32
    %scan3A_270 = arith.constant 1 : i32
    %scan3A_271:2 = scf.for %scan3A_519 = %scan3A_267 to %scan3A_269 step %scan3A_270 iter_args(%scan3A_520 = %select_n3A_266, %scan3A_521 = %broadcast_in_dim3A_261) -> (vector<512x512xf32>, vector<512x1xi32>)  : i32 {
      %sub3A_522 = arith.constant 1 : i32
      %sub3A_523 = arith.subi %scan3A_519, %sub3A_522 : i32
      %eq3A_524 = vector.broadcast %scan3A_521 : vector<512x1xi32> to vector<512x512xi32>
      %eq3A_525 = arith.cmpi eq, %iota3A, %eq3A_524 : vector<512x512xi32>
      %convert_element_type3A_526 = arith.extui %eq3A_525 : vector<512x512xi1> to vector<512x512xi32>
      %convert_element_type3A_527 = arith.sitofp %convert_element_type3A_526 : vector<512x512xi32> to vector<512x512xf32>
      %dot_general3A_528 = arith.constant dense<0.000000e+00> : vector<512x64xf32>
      %dot_general3A_529 = tpu.matmul %convert_element_type3A_527, %mul3A_220, %dot_general3A_528 {dimension_numbers = #tpu.dot_dimension_numbers<[1], [0], [0], [1], [0, 0, 1, 1], [], []>, precision = #tpu.contract_precision<fp32>, transpose_lhs_hint = false} : vector<512x512xf32>, vector<512x64xf32>, vector<512x64xf32> -> vector<512x64xf32>
      %sub3A_530 = arith.subf %dot_general3A_529, %mul3A_220 : vector<512x64xf32>
      %concatenate3A_531 = tpu.concatenate %mul3A_220, %sub3A_530 in 1 : vector<512x64xf32>, vector<512x64xf32> -> vector<512x128xf32>
      %dot_general3A_532 = arith.constant dense<0.000000e+00> : vector<512x64xf32>
      %dot_general3A_533 = tpu.matmul %concatenate3A_531, %transpose3A_235, %dot_general3A_532 {dimension_numbers = #tpu.dot_dimension_numbers<[1], [0], [0], [1], [0, 0, 1, 1], [], []>, transpose_lhs_hint = false} : vector<512x128xf32>, vector<128x64xf32>, vector<512x64xf32> -> vector<512x64xf32>
      %swap3A_534 = arith.constant 0 : index
      %swap3A_535 = arith.index_cast %sub3A_523 : i32 to index
      %swap3A_536 = arith.constant 0 : index
      %swap3A_537 = arith.constant 0 : index
      %swap3A_538 = vector.load %arg19[%swap3A_534, %swap3A_535, %swap3A_536, %swap3A_537] : memref<2x20x512x64xf32, #tpu.memory_space<vmem>>, vector<1x1x512x64xf32>
      %swap3A_539 = vector.shape_cast %swap3A_538 : vector<1x1x512x64xf32> to vector<512x64xf32>
      %swap3A_540 = vector.shape_cast %dot_general3A_533 : vector<512x64xf32> to vector<1x1x512x64xf32>
      tpu.vector_store %arg19[%swap3A_534, %swap3A_535, %swap3A_536, %swap3A_537], %swap3A_540 {strides = array<i32>} : memref<2x20x512x64xf32, #tpu.memory_space<vmem>>, vector<1x1x512x64xf32>,
      %reduce_min3A_541 = arith.constant dense<0x7F800000> : vector<512xf32>
      %reduce_min3A_542 = vector.multi_reduction <minimumf>, %scan3A_520, %reduce_min3A_541 [1] : vector<512x512xf32> to vector<512xf32>
      %broadcast_in_dim3A_543 = vector.shape_cast %reduce_min3A_542 : vector<512xf32> to vector<512x1xf32>
      %eq3A_544 = vector.broadcast %broadcast_in_dim3A_543 : vector<512x1xf32> to vector<512x512xf32>
      %eq3A_545 = arith.cmpf oeq, %scan3A_520, %eq3A_544 : vector<512x512xf32>
      %jit3A_546 = arith.constant 512 : i32
      %broadcast_in_dim3A_547 = vector.broadcast %jit3A_546 : i32 to vector<512x512xi32>
      %select_n3A_548 = arith.select %eq3A_545, %iota3A, %broadcast_in_dim3A_547 : vector<512x512xi1>, vector<512x512xi32>
      %reduce_min3A_549 = arith.constant dense<2147483647> : vector<512xi32>
      %reduce_min3A_550 = vector.multi_reduction <minsi>, %select_n3A_548, %reduce_min3A_549 [1] : vector<512x512xi32> to vector<512xi32>
      %broadcast_in_dim3A_551 = vector.shape_cast %reduce_min3A_550 : vector<512xi32> to vector<512x1xi32>
      %eq3A_552 = vector.broadcast %broadcast_in_dim3A_551 : vector<512x1xi32> to vector<512x512xi32>
      %eq3A_553 = arith.cmpi eq, %iota3A, %eq3A_552 : vector<512x512xi32>
      %jit3A_554 = arith.constant 0x7F800000 : f32
      %broadcast_in_dim3A_555 = vector.broadcast %jit3A_554 : f32 to vector<512x512xf32>
      %select_n3A_556 = arith.select %eq3A_553, %broadcast_in_dim3A_555, %scan3A_520 : vector<512x512xi1>, vector<512x512xf32>
      scf.yield %select_n3A_556, %broadcast_in_dim3A_551 : vector<512x512xf32>, vector<512x1xi32>
    }
    %scan3A_272 = arith.constant 19 : i32
    %eq3A_273 = vector.broadcast %scan3A_271#1 : vector<512x1xi32> to vector<512x512xi32>
    %eq3A_274 = arith.cmpi eq, %iota3A, %eq3A_273 : vector<512x512xi32>
    %convert_element_type3A_275 = arith.extui %eq3A_274 : vector<512x512xi1> to vector<512x512xi32>
    %convert_element_type3A_276 = arith.sitofp %convert_element_type3A_275 : vector<512x512xi32> to vector<512x512xf32>
    %dot_general3A_277 = arith.constant dense<0.000000e+00> : vector<512x64xf32>
    %dot_general3A_278 = tpu.matmul %convert_element_type3A_276, %mul3A_220, %dot_general3A_277 {dimension_numbers = #tpu.dot_dimension_numbers<[1], [0], [0], [1], [0, 0, 1, 1], [], []>, precision = #tpu.contract_precision<fp32>, transpose_lhs_hint = false} : vector<512x512xf32>, vector<512x64xf32>, vector<512x64xf32> -> vector<512x64xf32>
    %sub3A_279 = arith.subf %dot_general3A_278, %mul3A_220 : vector<512x64xf32>
    %concatenate3A_280 = tpu.concatenate %mul3A_220, %sub3A_279 in 1 : vector<512x64xf32>, vector<512x64xf32> -> vector<512x128xf32>
    %dot_general3A_281 = arith.constant dense<0.000000e+00> : vector<512x64xf32>
    %dot_general3A_282 = tpu.matmul %concatenate3A_280, %transpose3A_235, %dot_general3A_281 {dimension_numbers = #tpu.dot_dimension_numbers<[1], [0], [0], [1], [0, 0, 1, 1], [], []>, transpose_lhs_hint = false} : vector<512x128xf32>, vector<128x64xf32>, vector<512x64xf32> -> vector<512x64xf32>
    %swap3A_283 = arith.constant 0 : index
    %swap3A_284 = arith.constant 19 : index
    %swap3A_285 = arith.constant 0 : index
    %swap3A_286 = arith.constant 0 : index
    %swap3A_287 = vector.load %arg19[%swap3A_283, %swap3A_284, %swap3A_285, %swap3A_286] : memref<2x20x512x64xf32, #tpu.memory_space<vmem>>, vector<1x1x512x64xf32>
    %swap3A_288 = vector.shape_cast %swap3A_287 : vector<1x1x512x64xf32> to vector<512x64xf32>
    %swap3A_289 = vector.shape_cast %dot_general3A_282 : vector<512x64xf32> to vector<1x1x512x64xf32>
    tpu.vector_store %arg19[%swap3A_283, %swap3A_284, %swap3A_285, %swap3A_286], %swap3A_289 {strides = array<i32>} : memref<2x20x512x64xf32, #tpu.memory_space<vmem>>, vector<1x1x512x64xf32>,
    %mul3A_290 = arith.mulf %mul3A_231, %mul3A_231 : vector<512x64xf32>
    %reduce_sum3A_291 = arith.constant dense<0.000000e+00> : vector<512xf32>
    %reduce_sum3A_292 = vector.multi_reduction <add>, %mul3A_290, %reduce_sum3A_291 [1] : vector<512x64xf32> to vector<512xf32>
    %broadcast_in_dim3A_293 = vector.shape_cast %reduce_sum3A_292 : vector<512xf32> to vector<512x1xf32>
    %transpose3A_294 = tpu.transpose %mul3A_231, [1, 0] : vector<512x64xf32> -> vector<64x512xf32>
    %dot_general3A_295 = arith.constant dense<0.000000e+00> : vector<512x512xf32>
    %dot_general3A_296 = tpu.matmul %mul3A_231, %transpose3A_294, %dot_general3A_295 {dimension_numbers = #tpu.dot_dimension_numbers<[1], [0], [0], [1], [0, 0, 1, 1], [], []>, transpose_lhs_hint = false} : vector<512x64xf32>, vector<64x512xf32>, vector<512x512xf32> -> vector<512x512xf32>
    %transpose3A_297 = tpu.transpose %broadcast_in_dim3A_293, [1, 0] : vector<512x1xf32> -> vector<1x512xf32>
    %add3A_298 = vector.broadcast %broadcast_in_dim3A_293 : vector<512x1xf32> to vector<512x512xf32>
    %add3A_299 = vector.broadcast %transpose3A_297 : vector<1x512xf32> to vector<512x512xf32>
    %add3A_300 = arith.addf %add3A_298, %add3A_299 : vector<512x512xf32>
    %mul3A_301 = arith.constant 2.000000e+00 : f32
    %mul3A_302 = vector.broadcast %mul3A_301 : f32 to vector<512x512xf32>
    %mul3A_303 = arith.mulf %mul3A_302, %dot_general3A_296 : vector<512x512xf32>
    %sub3A_304 = arith.subf %add3A_300, %mul3A_303 : vector<512x512xf32>
    %reduce_min3A_305 = arith.constant dense<0x7F800000> : vector<512xf32>
    %reduce_min3A_306 = vector.multi_reduction <minimumf>, %sub3A_304, %reduce_min3A_305 [1] : vector<512x512xf32> to vector<512xf32>
    %broadcast_in_dim3A_307 = vector.shape_cast %reduce_min3A_306 : vector<512xf32> to vector<512x1xf32>
    %eq3A_308 = vector.broadcast %broadcast_in_dim3A_307 : vector<512x1xf32> to vector<512x512xf32>
    %eq3A_309 = arith.cmpf oeq, %sub3A_304, %eq3A_308 : vector<512x512xf32>
    %jit3A_310 = arith.constant 512 : i32
    %broadcast_in_dim3A_311 = vector.broadcast %jit3A_310 : i32 to vector<512x512xi32>
    %select_n3A_312 = arith.select %eq3A_309, %iota3A, %broadcast_in_dim3A_311 : vector<512x512xi1>, vector<512x512xi32>
    %reduce_min3A_313 = arith.constant dense<2147483647> : vector<512xi32>
    %reduce_min3A_314 = vector.multi_reduction <minsi>, %select_n3A_312, %reduce_min3A_313 [1] : vector<512x512xi32> to vector<512xi32>
    %broadcast_in_dim3A_315 = vector.shape_cast %reduce_min3A_314 : vector<512xi32> to vector<512x1xi32>
    %eq3A_316 = vector.broadcast %broadcast_in_dim3A_315 : vector<512x1xi32> to vector<512x512xi32>
    %eq3A_317 = arith.cmpi eq, %iota3A, %eq3A_316 : vector<512x512xi32>
    %jit3A_318 = arith.constant 0x7F800000 : f32
    %broadcast_in_dim3A_319 = vector.broadcast %jit3A_318 : f32 to vector<512x512xf32>
    %select_n3A_320 = arith.select %eq3A_317, %broadcast_in_dim3A_319, %sub3A_304 : vector<512x512xi1>, vector<512x512xf32>
    %scan3A_321 = arith.constant 1 : i32
    %scan3A_322 = arith.constant 19 : i32
    %scan3A_323 = arith.addi %scan3A_321, %scan3A_322 : i32
    %scan3A_324 = arith.constant 1 : i32
    %scan3A_325:2 = scf.for %scan3A_519 = %scan3A_321 to %scan3A_323 step %scan3A_324 iter_args(%scan3A_520 = %select_n3A_320, %scan3A_521 = %broadcast_in_dim3A_315) -> (vector<512x512xf32>, vector<512x1xi32>)  : i32 {
      %sub3A_522 = arith.constant 1 : i32
      %sub3A_523 = arith.subi %scan3A_519, %sub3A_522 : i32
      %eq3A_524 = vector.broadcast %scan3A_521 : vector<512x1xi32> to vector<512x512xi32>
      %eq3A_525 = arith.cmpi eq, %iota3A, %eq3A_524 : vector<512x512xi32>
      %convert_element_type3A_526 = arith.extui %eq3A_525 : vector<512x512xi1> to vector<512x512xi32>
      %convert_element_type3A_527 = arith.sitofp %convert_element_type3A_526 : vector<512x512xi32> to vector<512x512xf32>
      %dot_general3A_528 = arith.constant dense<0.000000e+00> : vector<512x64xf32>
      %dot_general3A_529 = tpu.matmul %convert_element_type3A_527, %mul3A_231, %dot_general3A_528 {dimension_numbers = #tpu.dot_dimension_numbers<[1], [0], [0], [1], [0, 0, 1, 1], [], []>, precision = #tpu.contract_precision<fp32>, transpose_lhs_hint = false} : vector<512x512xf32>, vector<512x64xf32>, vector<512x64xf32> -> vector<512x64xf32>
      %sub3A_530 = arith.subf %dot_general3A_529, %mul3A_231 : vector<512x64xf32>
      %concatenate3A_531 = tpu.concatenate %mul3A_231, %sub3A_530 in 1 : vector<512x64xf32>, vector<512x64xf32> -> vector<512x128xf32>
      %dot_general3A_532 = arith.constant dense<0.000000e+00> : vector<512x64xf32>
      %dot_general3A_533 = tpu.matmul %concatenate3A_531, %transpose3A_235, %dot_general3A_532 {dimension_numbers = #tpu.dot_dimension_numbers<[1], [0], [0], [1], [0, 0, 1, 1], [], []>, transpose_lhs_hint = false} : vector<512x128xf32>, vector<128x64xf32>, vector<512x64xf32> -> vector<512x64xf32>
      %swap3A_534 = arith.constant 1 : index
      %swap3A_535 = arith.index_cast %sub3A_523 : i32 to index
      %swap3A_536 = arith.constant 0 : index
      %swap3A_537 = arith.constant 0 : index
      %swap3A_538 = vector.load %arg19[%swap3A_534, %swap3A_535, %swap3A_536, %swap3A_537] : memref<2x20x512x64xf32, #tpu.memory_space<vmem>>, vector<1x1x512x64xf32>
      %swap3A_539 = vector.shape_cast %swap3A_538 : vector<1x1x512x64xf32> to vector<512x64xf32>
      %swap3A_540 = vector.shape_cast %dot_general3A_533 : vector<512x64xf32> to vector<1x1x512x64xf32>
      tpu.vector_store %arg19[%swap3A_534, %swap3A_535, %swap3A_536, %swap3A_537], %swap3A_540 {strides = array<i32>} : memref<2x20x512x64xf32, #tpu.memory_space<vmem>>, vector<1x1x512x64xf32>,
      %reduce_min3A_541 = arith.constant dense<0x7F800000> : vector<512xf32>
      %reduce_min3A_542 = vector.multi_reduction <minimumf>, %scan3A_520, %reduce_min3A_541 [1] : vector<512x512xf32> to vector<512xf32>
      %broadcast_in_dim3A_543 = vector.shape_cast %reduce_min3A_542 : vector<512xf32> to vector<512x1xf32>
      %eq3A_544 = vector.broadcast %broadcast_in_dim3A_543 : vector<512x1xf32> to vector<512x512xf32>
      %eq3A_545 = arith.cmpf oeq, %scan3A_520, %eq3A_544 : vector<512x512xf32>
      %jit3A_546 = arith.constant 512 : i32
      %broadcast_in_dim3A_547 = vector.broadcast %jit3A_546 : i32 to vector<512x512xi32>
      %select_n3A_548 = arith.select %eq3A_545, %iota3A, %broadcast_in_dim3A_547 : vector<512x512xi1>, vector<512x512xi32>
      %reduce_min3A_549 = arith.constant dense<2147483647> : vector<512xi32>
      %reduce_min3A_550 = vector.multi_reduction <minsi>, %select_n3A_548, %reduce_min3A_549 [1] : vector<512x512xi32> to vector<512xi32>
      %broadcast_in_dim3A_551 = vector.shape_cast %reduce_min3A_550 : vector<512xi32> to vector<512x1xi32>
      %eq3A_552 = vector.broadcast %broadcast_in_dim3A_551 : vector<512x1xi32> to vector<512x512xi32>
      %eq3A_553 = arith.cmpi eq, %iota3A, %eq3A_552 : vector<512x512xi32>
      %jit3A_554 = arith.constant 0x7F800000 : f32
      %broadcast_in_dim3A_555 = vector.broadcast %jit3A_554 : f32 to vector<512x512xf32>
      %select_n3A_556 = arith.select %eq3A_553, %broadcast_in_dim3A_555, %scan3A_520 : vector<512x512xi1>, vector<512x512xf32>
      scf.yield %select_n3A_556, %broadcast_in_dim3A_551 : vector<512x512xf32>, vector<512x1xi32>
    }
    %scan3A_326 = arith.constant 19 : i32
    %eq3A_327 = vector.broadcast %scan3A_325#1 : vector<512x1xi32> to vector<512x512xi32>
    %eq3A_328 = arith.cmpi eq, %iota3A, %eq3A_327 : vector<512x512xi32>
    %convert_element_type3A_329 = arith.extui %eq3A_328 : vector<512x512xi1> to vector<512x512xi32>
    %convert_element_type3A_330 = arith.sitofp %convert_element_type3A_329 : vector<512x512xi32> to vector<512x512xf32>
    %dot_general3A_331 = arith.constant dense<0.000000e+00> : vector<512x64xf32>
    %dot_general3A_332 = tpu.matmul %convert_element_type3A_330, %mul3A_231, %dot_general3A_331 {dimension_numbers = #tpu.dot_dimension_numbers<[1], [0], [0], [1], [0, 0, 1, 1], [], []>, precision = #tpu.contract_precision<fp32>, transpose_lhs_hint = false} : vector<512x512xf32>, vector<512x64xf32>, vector<512x64xf32> -> vector<512x64xf32>
    %sub3A_333 = arith.subf %dot_general3A_332, %mul3A_231 : vector<512x64xf32>
    %concatenate3A_334 = tpu.concatenate %mul3A_231, %sub3A_333 in 1 : vector<512x64xf32>, vector<512x64xf32> -> vector<512x128xf32>
    %dot_general3A_335 = arith.constant dense<0.000000e+00> : vector<512x64xf32>
    %dot_general3A_336 = tpu.matmul %concatenate3A_334, %transpose3A_235, %dot_general3A_335 {dimension_numbers = #tpu.dot_dimension_numbers<[1], [0], [0], [1], [0, 0, 1, 1], [], []>, transpose_lhs_hint = false} : vector<512x128xf32>, vector<128x64xf32>, vector<512x64xf32> -> vector<512x64xf32>
    %swap3A_337 = arith.constant 1 : index
    %swap3A_338 = arith.constant 19 : index
    %swap3A_339 = arith.constant 0 : index
    %swap3A_340 = arith.constant 0 : index
    %swap3A_341 = vector.load %arg19[%swap3A_337, %swap3A_338, %swap3A_339, %swap3A_340] : memref<2x20x512x64xf32, #tpu.memory_space<vmem>>, vector<1x1x512x64xf32>
    %swap3A_342 = vector.shape_cast %swap3A_341 : vector<1x1x512x64xf32> to vector<512x64xf32>
    %swap3A_343 = vector.shape_cast %dot_general3A_336 : vector<512x64xf32> to vector<1x1x512x64xf32>
    tpu.vector_store %arg19[%swap3A_337, %swap3A_338, %swap3A_339, %swap3A_340], %swap3A_343 {strides = array<i32>} : memref<2x20x512x64xf32, #tpu.memory_space<vmem>>, vector<1x1x512x64xf32>,
    %get3A_344 = arith.constant 0 : index
    %get3A_345 = arith.constant 0 : index
    %get3A_346 = arith.constant 0 : index
    %get3A_347 = arith.constant 0 : index
    %get3A_348 = vector.load %arg19[%get3A_344, %get3A_345, %get3A_346, %get3A_347] : memref<2x20x512x64xf32, #tpu.memory_space<vmem>>, vector<2x20x512x64xf32>
    %reduce_sum3A_349 = arith.constant dense<0.000000e+00> : vector<64xf32>
    %reduce_sum3A_350 = vector.multi_reduction <add>, %get3A_348, %reduce_sum3A_349 [0, 1, 2] : vector<2x20x512x64xf32> to vector<64xf32>
    %div3A_351 = arith.constant 2.048000e+04 : f32
    %div3A_352 = vector.broadcast %div3A_351 : f32 to vector<64xf32>
    %div3A_353 = arith.divf %reduce_sum3A_350, %div3A_352 : vector<64xf32>
    %mul3A_354 = arith.mulf %get3A_348, %get3A_348 : vector<2x20x512x64xf32>
    %reduce_sum3A_355 = arith.constant dense<0.000000e+00> : vector<64xf32>
    %reduce_sum3A_356 = vector.multi_reduction <add>, %mul3A_354, %reduce_sum3A_355 [0, 1, 2] : vector<2x20x512x64xf32> to vector<64xf32>
    %div3A_357 = arith.constant 2.048000e+04 : f32
    %div3A_358 = vector.broadcast %div3A_357 : f32 to vector<64xf32>
    %div3A_359 = arith.divf %reduce_sum3A_356, %div3A_358 : vector<64xf32>
    %mul3A_360 = arith.mulf %div3A_353, %div3A_353 : vector<64xf32>
    %sub3A_361 = arith.subf %div3A_359, %mul3A_360 : vector<64xf32>
    %get3A_362 = arith.constant 0 : index
    %get3A_363 = arith.constant 0 : index
    %get3A_364 = vector.load %arg11[%get3A_362, %get3A_363] : memref<1x64xf32, #tpu.memory_space<vmem>>, vector<1x64xf32>
    %get3A_365 = vector.shape_cast %get3A_364 : vector<1x64xf32> to vector<64xf32>
    %add3A_366 = arith.constant 9.99999974E-6 : f32
    %add3A_367 = vector.broadcast %add3A_366 : f32 to vector<64xf32>
    %add3A_368 = arith.addf %sub3A_361, %add3A_367 : vector<64xf32>
    %sqrt3A_369 = math.sqrt %add3A_368 : vector<64xf32>
    %div3A_370 = arith.divf %get3A_365, %sqrt3A_369 : vector<64xf32>
    %get3A_371 = arith.constant 0 : index
    %get3A_372 = arith.constant 0 : index
    %get3A_373 = vector.load %arg12[%get3A_371, %get3A_372] : memref<1x64xf32, #tpu.memory_space<vmem>>, vector<1x64xf32>
    %get3A_374 = vector.shape_cast %get3A_373 : vector<1x64xf32> to vector<64xf32>
    %mul3A_375 = arith.mulf %div3A_353, %div3A_370 : vector<64xf32>
    %sub3A_376 = arith.subf %get3A_374, %mul3A_375 : vector<64xf32>
    %broadcast_in_dim3A_377 = arith.constant 0.000000e+00 : f32
    %broadcast_in_dim3A_378 = vector.broadcast %broadcast_in_dim3A_377 : f32 to vector<512x64xf32>
    %scan3A_379 = arith.constant 0 : i32
    %scan3A_380 = arith.constant 20 : i32
    %scan3A_381 = arith.addi %scan3A_379, %scan3A_380 : i32
    %scan3A_382 = arith.constant 1 : i32
    %scan3A_383 = scf.for %scan3A_519 = %scan3A_379 to %scan3A_381 step %scan3A_382 iter_args(%scan3A_520 = %broadcast_in_dim3A_378) -> (vector<512x64xf32>)  : i32 {
      %get3A_521 = arith.constant 0 : index
      %get3A_522 = arith.index_cast %scan3A_519 : i32 to index
      %get3A_523 = arith.constant 0 : index
      %get3A_524 = arith.constant 0 : index
      %get3A_525 = vector.load %arg19[%get3A_521, %get3A_522, %get3A_523, %get3A_524] : memref<2x20x512x64xf32, #tpu.memory_space<vmem>>, vector<1x1x512x64xf32>
      %get3A_526 = vector.shape_cast %get3A_525 : vector<1x1x512x64xf32> to vector<512x64xf32>
      %broadcast_in_dim3A_527 = vector.shape_cast %div3A_370 : vector<64xf32> to vector<1x64xf32>
      %mul3A_528 = vector.broadcast %broadcast_in_dim3A_527 : vector<1x64xf32> to vector<512x64xf32>
      %mul3A_529 = arith.mulf %get3A_526, %mul3A_528 : vector<512x64xf32>
      %broadcast_in_dim3A_530 = vector.shape_cast %sub3A_376 : vector<64xf32> to vector<1x64xf32>
      %add3A_531 = vector.broadcast %broadcast_in_dim3A_530 : vector<1x64xf32> to vector<512x64xf32>
      %add3A_532 = arith.addf %mul3A_529, %add3A_531 : vector<512x64xf32>
      %mul3A_533 = arith.constant 5.000000e-01 : f32
      %mul3A_534 = vector.broadcast %mul3A_533 : f32 to vector<512x64xf32>
      %mul3A_535 = arith.mulf %mul3A_534, %add3A_532 : vector<512x64xf32>
      %mul3A_536 = arith.constant 0.707106769 : f32
      %mul3A_537 = vector.broadcast %mul3A_536 : f32 to vector<512x64xf32>
      %mul3A_538 = arith.mulf %add3A_532, %mul3A_537 : vector<512x64xf32>
      %erf3A = math.erf %mul3A_538 : vector<512x64xf32>
      %add3A_539 = arith.constant 1.000000e+00 : f32
      %add3A_540 = vector.broadcast %add3A_539 : f32 to vector<512x64xf32>
      %add3A_541 = arith.addf %add3A_540, %erf3A : vector<512x64xf32>
      %mul3A_542 = arith.mulf %mul3A_535, %add3A_541 : vector<512x64xf32>
      %add3A_543 = arith.addf %scan3A_520, %mul3A_542 : vector<512x64xf32>
      scf.yield %add3A_543 : vector<512x64xf32>
    }
    %scan3A_384 = arith.constant 20 : i32
    %mul3A_385 = arith.constant 5.000000e-02 : f32
    %mul3A_386 = vector.broadcast %mul3A_385 : f32 to vector<512x64xf32>
    %mul3A_387 = arith.mulf %scan3A_383, %mul3A_386 : vector<512x64xf32>
    %broadcast_in_dim3A_388 = arith.constant 0.000000e+00 : f32
    %broadcast_in_dim3A_389 = vector.broadcast %broadcast_in_dim3A_388 : f32 to vector<512x64xf32>
    %scan3A_390 = arith.constant 0 : i32
    %scan3A_391 = arith.constant 20 : i32
    %scan3A_392 = arith.addi %scan3A_390, %scan3A_391 : i32
    %scan3A_393 = arith.constant 1 : i32
    %scan3A_394 = scf.for %scan3A_519 = %scan3A_390 to %scan3A_392 step %scan3A_393 iter_args(%scan3A_520 = %broadcast_in_dim3A_389) -> (vector<512x64xf32>)  : i32 {
      %get3A_521 = arith.constant 1 : index
      %get3A_522 = arith.index_cast %scan3A_519 : i32 to index
      %get3A_523 = arith.constant 0 : index
      %get3A_524 = arith.constant 0 : index
      %get3A_525 = vector.load %arg19[%get3A_521, %get3A_522, %get3A_523, %get3A_524] : memref<2x20x512x64xf32, #tpu.memory_space<vmem>>, vector<1x1x512x64xf32>
      %get3A_526 = vector.shape_cast %get3A_525 : vector<1x1x512x64xf32> to vector<512x64xf32>
      %broadcast_in_dim3A_527 = vector.shape_cast %div3A_370 : vector<64xf32> to vector<1x64xf32>
      %mul3A_528 = vector.broadcast %broadcast_in_dim3A_527 : vector<1x64xf32> to vector<512x64xf32>
      %mul3A_529 = arith.mulf %get3A_526, %mul3A_528 : vector<512x64xf32>
      %broadcast_in_dim3A_530 = vector.shape_cast %sub3A_376 : vector<64xf32> to vector<1x64xf32>
      %add3A_531 = vector.broadcast %broadcast_in_dim3A_530 : vector<1x64xf32> to vector<512x64xf32>
      %add3A_532 = arith.addf %mul3A_529, %add3A_531 : vector<512x64xf32>
      %mul3A_533 = arith.constant 5.000000e-01 : f32
      %mul3A_534 = vector.broadcast %mul3A_533 : f32 to vector<512x64xf32>
      %mul3A_535 = arith.mulf %mul3A_534, %add3A_532 : vector<512x64xf32>
      %mul3A_536 = arith.constant 0.707106769 : f32
      %mul3A_537 = vector.broadcast %mul3A_536 : f32 to vector<512x64xf32>
      %mul3A_538 = arith.mulf %add3A_532, %mul3A_537 : vector<512x64xf32>
      %erf3A = math.erf %mul3A_538 : vector<512x64xf32>
      %add3A_539 = arith.constant 1.000000e+00 : f32
      %add3A_540 = vector.broadcast %add3A_539 : f32 to vector<512x64xf32>
      %add3A_541 = arith.addf %add3A_540, %erf3A : vector<512x64xf32>
      %mul3A_542 = arith.mulf %mul3A_535, %add3A_541 : vector<512x64xf32>
      %add3A_543 = arith.addf %scan3A_520, %mul3A_542 : vector<512x64xf32>
      scf.yield %add3A_543 : vector<512x64xf32>
    }
    %scan3A_395 = arith.constant 20 : i32
    %mul3A_396 = arith.constant 5.000000e-02 : f32
    %mul3A_397 = vector.broadcast %mul3A_396 : f32 to vector<512x64xf32>
    %mul3A_398 = arith.mulf %scan3A_394, %mul3A_397 : vector<512x64xf32>
    %swap3A_399 = arith.constant 0 : index
    %swap3A_400 = arith.constant 0 : index
    %swap3A_401 = arith.constant 0 : index
    %swap3A_402 = vector.load %arg15[%swap3A_399, %swap3A_400, %swap3A_401] : memref<2x512x64xf32, #tpu.memory_space<vmem>>, vector<1x512x64xf32>
    %swap3A_403 = vector.shape_cast %swap3A_402 : vector<1x512x64xf32> to vector<512x64xf32>
    %swap3A_404 = vector.shape_cast %mul3A_387 : vector<512x64xf32> to vector<1x512x64xf32>
    tpu.vector_store %arg15[%swap3A_399, %swap3A_400, %swap3A_401], %swap3A_404 {strides = array<i32>} : memref<2x512x64xf32, #tpu.memory_space<vmem>>, vector<1x512x64xf32>,
    %swap3A_405 = arith.constant 1 : index
    %swap3A_406 = arith.constant 0 : index
    %swap3A_407 = arith.constant 0 : index
    %swap3A_408 = vector.load %arg15[%swap3A_405, %swap3A_406, %swap3A_407] : memref<2x512x64xf32, #tpu.memory_space<vmem>>, vector<1x512x64xf32>
    %swap3A_409 = vector.shape_cast %swap3A_408 : vector<1x512x64xf32> to vector<512x64xf32>
    %swap3A_410 = vector.shape_cast %mul3A_398 : vector<512x64xf32> to vector<1x512x64xf32>
    tpu.vector_store %arg15[%swap3A_405, %swap3A_406, %swap3A_407], %swap3A_410 {strides = array<i32>} : memref<2x512x64xf32, #tpu.memory_space<vmem>>, vector<1x512x64xf32>,
    %get3A_411 = arith.constant 0 : index
    %get3A_412 = arith.constant 0 : index
    %get3A_413 = vector.load %arg8[%get3A_411, %get3A_412] : memref<16x144xf32, #tpu.memory_space<vmem>>, vector<16x16xf32>
    %get3A_414 = arith.constant 0 : index
    %get3A_415 = arith.constant 16 : index
    %get3A_416 = vector.load %arg8[%get3A_414, %get3A_415] : memref<16x144xf32, #tpu.memory_space<vmem>>, vector<16x64xf32>
    %get3A_417 = arith.constant 0 : index
    %get3A_418 = arith.constant 80 : index
    %get3A_419 = vector.load %arg8[%get3A_417, %get3A_418] : memref<16x144xf32, #tpu.memory_space<vmem>>, vector<16x64xf32>
    %get3A_420 = arith.constant 0 : index
    %get3A_421 = arith.constant 0 : index
    %get3A_422 = vector.load %arg13[%get3A_420, %get3A_421] : memref<16x144xf32, #tpu.memory_space<vmem>>, vector<16x16xf32>
    %get3A_423 = arith.constant 0 : index
    %get3A_424 = arith.constant 16 : index
    %get3A_425 = vector.load %arg13[%get3A_423, %get3A_424] : memref<16x144xf32, #tpu.memory_space<vmem>>, vector<16x64xf32>
    %get3A_426 = arith.constant 0 : index
    %get3A_427 = arith.constant 80 : index
    %get3A_428 = vector.load %arg13[%get3A_426, %get3A_427] : memref<16x144xf32, #tpu.memory_space<vmem>>, vector<16x64xf32>
    %transpose3A_429 = tpu.transpose %get3A_413, [1, 0] : vector<16x16xf32> -> vector<16x16xf32>
    %transpose3A_430 = tpu.transpose %get3A_422, [1, 0] : vector<16x16xf32> -> vector<16x16xf32>
    %dot_general3A_431 = arith.constant dense<0.000000e+00> : vector<16x16xf32>
    %dot_general3A_432 = tpu.matmul %transpose3A_429, %transpose3A_430, %dot_general3A_431 {dimension_numbers = #tpu.dot_dimension_numbers<[1], [0], [0], [1], [0, 0, 1, 1], [], []>, precision = #tpu.contract_precision<fp32>, transpose_lhs_hint = false} : vector<16x16xf32>, vector<16x16xf32>, vector<16x16xf32> -> vector<16x16xf32>
    %get3A_433 = arith.constant 0 : index
    %get3A_434 = arith.constant 0 : index
    %get3A_435 = vector.load %arg3[%get3A_433, %get3A_434] : memref<1x16xf32, #tpu.memory_space<vmem>>, vector<1x16xf32>
    %get3A_436 = vector.shape_cast %get3A_435 : vector<1x16xf32> to vector<16xf32>
    %broadcast_in_dim3A_437 = vector.shape_cast %get3A_436 : vector<16xf32> to vector<16x1xf32>
    %mul3A_438 = vector.broadcast %broadcast_in_dim3A_437 : vector<16x1xf32> to vector<16x16xf32>
    %mul3A_439 = arith.mulf %mul3A_438, %dot_general3A_432 : vector<16x16xf32>
    %swap3A_440 = arith.constant 0 : index
    %swap3A_441 = arith.constant 0 : index
    %swap3A_442 = vector.load %arg18[%swap3A_440, %swap3A_441] : memref<16x16xf32, #tpu.memory_space<vmem>>, vector<16x16xf32>
    tpu.vector_store %arg18[%swap3A_440, %swap3A_441], %mul3A_439 {strides = array<i32>} : memref<16x16xf32, #tpu.memory_space<vmem>>, vector<16x16xf32>,
    %transpose3A_443 = tpu.transpose %get3A_419, [1, 0] : vector<16x64xf32> -> vector<64x16xf32>
    %transpose3A_444 = tpu.transpose %get3A_422, [1, 0] : vector<16x16xf32> -> vector<16x16xf32>
    %dot_general3A_445 = arith.constant dense<0.000000e+00> : vector<64x16xf32>
    %dot_general3A_446 = tpu.matmul %transpose3A_443, %transpose3A_444, %dot_general3A_445 {dimension_numbers = #tpu.dot_dimension_numbers<[1], [0], [0], [1], [0, 0, 1, 1], [], []>, precision = #tpu.contract_precision<fp32>, transpose_lhs_hint = false} : vector<64x16xf32>, vector<16x16xf32>, vector<64x16xf32> -> vector<64x16xf32>
    %transpose3A_447 = tpu.transpose %get3A_416, [1, 0] : vector<16x64xf32> -> vector<64x16xf32>
    %transpose3A_448 = tpu.transpose %get3A_422, [1, 0] : vector<16x16xf32> -> vector<16x16xf32>
    %dot_general3A_449 = arith.constant dense<0.000000e+00> : vector<64x16xf32>
    %dot_general3A_450 = tpu.matmul %transpose3A_447, %transpose3A_448, %dot_general3A_449 {dimension_numbers = #tpu.dot_dimension_numbers<[1], [0], [0], [1], [0, 0, 1, 1], [], []>, precision = #tpu.contract_precision<fp32>, transpose_lhs_hint = false} : vector<64x16xf32>, vector<16x16xf32>, vector<64x16xf32> -> vector<64x16xf32>
    %get3A_451 = arith.constant 0 : index
    %get3A_452 = arith.constant 0 : index
    %get3A_453 = vector.load %arg9[%get3A_451, %get3A_452] : memref<1x16xf32, #tpu.memory_space<vmem>>, vector<1x16xf32>
    %transpose3A_454 = tpu.transpose %get3A_422, [1, 0] : vector<16x16xf32> -> vector<16x16xf32>
    %dot_general3A_455 = arith.constant dense<0.000000e+00> : vector<1x16xf32>
    %dot_general3A_456 = tpu.matmul %get3A_453, %transpose3A_454, %dot_general3A_455 {dimension_numbers = #tpu.dot_dimension_numbers<[1], [0], [0], [1], [0, 0, 1, 1], [], []>, precision = #tpu.contract_precision<fp32>, transpose_lhs_hint = false} : vector<1x16xf32>, vector<16x16xf32>, vector<1x16xf32> -> vector<1x16xf32>
    %get3A_457 = arith.constant 0 : index
    %get3A_458 = arith.constant 0 : index
    %get3A_459 = vector.load %arg14[%get3A_457, %get3A_458] : memref<1x16xf32, #tpu.memory_space<vmem>>, vector<1x16xf32>
    %add3A_460 = arith.addf %dot_general3A_456, %get3A_459 : vector<1x16xf32>
    %get3A_461 = arith.constant 0 : index
    %get3A_462 = arith.constant 0 : index
    %get3A_463 = vector.load %arg4[%get3A_461, %get3A_462] : memref<1x16xf32, #tpu.memory_space<vmem>>, vector<1x16xf32>
    %dot_general3A_464 = arith.constant dense<0.000000e+00> : vector<1x16xf32>
    %dot_general3A_465 = tpu.matmul %get3A_463, %dot_general3A_432, %dot_general3A_464 {dimension_numbers = #tpu.dot_dimension_numbers<[1], [0], [0], [1], [0, 0, 1, 1], [], []>, precision = #tpu.contract_precision<fp32>, transpose_lhs_hint = false} : vector<1x16xf32>, vector<16x16xf32>, vector<1x16xf32> -> vector<1x16xf32>
    %add3A_466 = arith.addf %add3A_460, %dot_general3A_465 : vector<1x16xf32>
    %dot_general3A_467 = arith.constant dense<0.000000e+00> : vector<512x16xf32>
    %dot_general3A_468 = tpu.matmul %mul3A_220, %dot_general3A_446, %dot_general3A_467 {dimension_numbers = #tpu.dot_dimension_numbers<[1], [0], [0], [1], [0, 0, 1, 1], [], []>, precision = #tpu.contract_precision<fp32>, transpose_lhs_hint = false} : vector<512x64xf32>, vector<64x16xf32>, vector<512x16xf32> -> vector<512x16xf32>
    %transpose3A_469 = tpu.transpose %get3A_428, [1, 0] : vector<16x64xf32> -> vector<64x16xf32>
    %dot_general3A_470 = arith.constant dense<0.000000e+00> : vector<512x16xf32>
    %dot_general3A_471 = tpu.matmul %mul3A_387, %transpose3A_469, %dot_general3A_470 {dimension_numbers = #tpu.dot_dimension_numbers<[1], [0], [0], [1], [0, 0, 1, 1], [], []>, precision = #tpu.contract_precision<fp32>, transpose_lhs_hint = false} : vector<512x64xf32>, vector<64x16xf32>, vector<512x16xf32> -> vector<512x16xf32>
    %add3A_472 = arith.addf %dot_general3A_468, %dot_general3A_471 : vector<512x16xf32>
    %add3A_473 = vector.broadcast %add3A_466 : vector<1x16xf32> to vector<512x16xf32>
    %add3A_474 = arith.addf %add3A_472, %add3A_473 : vector<512x16xf32>
    %swap3A_475 = arith.constant 0 : index
    %swap3A_476 = arith.constant 0 : index
    %swap3A_477 = arith.constant 0 : index
    %swap3A_478 = vector.load %arg16[%swap3A_475, %swap3A_476, %swap3A_477] : memref<2x512x16xf32, #tpu.memory_space<vmem>>, vector<1x512x16xf32>
    %swap3A_479 = vector.shape_cast %swap3A_478 : vector<1x512x16xf32> to vector<512x16xf32>
    %swap3A_480 = vector.shape_cast %add3A_474 : vector<512x16xf32> to vector<1x512x16xf32>
    tpu.vector_store %arg16[%swap3A_475, %swap3A_476, %swap3A_477], %swap3A_480 {strides = array<i32>} : memref<2x512x16xf32, #tpu.memory_space<vmem>>, vector<1x512x16xf32>,
    %dot_general3A_481 = arith.constant dense<0.000000e+00> : vector<512x16xf32>
    %dot_general3A_482 = tpu.matmul %mul3A_220, %dot_general3A_450, %dot_general3A_481 {dimension_numbers = #tpu.dot_dimension_numbers<[1], [0], [0], [1], [0, 0, 1, 1], [], []>, precision = #tpu.contract_precision<fp32>, transpose_lhs_hint = false} : vector<512x64xf32>, vector<64x16xf32>, vector<512x16xf32> -> vector<512x16xf32>
    %transpose3A_483 = tpu.transpose %get3A_425, [1, 0] : vector<16x64xf32> -> vector<64x16xf32>
    %dot_general3A_484 = arith.constant dense<0.000000e+00> : vector<512x16xf32>
    %dot_general3A_485 = tpu.matmul %mul3A_387, %transpose3A_483, %dot_general3A_484 {dimension_numbers = #tpu.dot_dimension_numbers<[1], [0], [0], [1], [0, 0, 1, 1], [], []>, precision = #tpu.contract_precision<fp32>, transpose_lhs_hint = false} : vector<512x64xf32>, vector<64x16xf32>, vector<512x16xf32> -> vector<512x16xf32>
    %add3A_486 = arith.addf %dot_general3A_482, %dot_general3A_485 : vector<512x16xf32>
    %swap3A_487 = arith.constant 0 : index
    %swap3A_488 = arith.constant 0 : index
    %swap3A_489 = arith.constant 0 : index
    %swap3A_490 = vector.load %arg17[%swap3A_487, %swap3A_488, %swap3A_489] : memref<2x512x16xf32, #tpu.memory_space<vmem>>, vector<1x512x16xf32>
    %swap3A_491 = vector.shape_cast %swap3A_490 : vector<1x512x16xf32> to vector<512x16xf32>
    %swap3A_492 = vector.shape_cast %add3A_486 : vector<512x16xf32> to vector<1x512x16xf32>
    tpu.vector_store %arg17[%swap3A_487, %swap3A_488, %swap3A_489], %swap3A_492 {strides = array<i32>} : memref<2x512x16xf32, #tpu.memory_space<vmem>>, vector<1x512x16xf32>,
    %dot_general3A_493 = arith.constant dense<0.000000e+00> : vector<512x16xf32>
    %dot_general3A_494 = tpu.matmul %mul3A_231, %dot_general3A_446, %dot_general3A_493 {dimension_numbers = #tpu.dot_dimension_numbers<[1], [0], [0], [1], [0, 0, 1, 1], [], []>, precision = #tpu.contract_precision<fp32>, transpose_lhs_hint = false} : vector<512x64xf32>, vector<64x16xf32>, vector<512x16xf32> -> vector<512x16xf32>
    %transpose3A_495 = tpu.transpose %get3A_428, [1, 0] : vector<16x64xf32> -> vector<64x16xf32>
    %dot_general3A_496 = arith.constant dense<0.000000e+00> : vector<512x16xf32>
    %dot_general3A_497 = tpu.matmul %mul3A_398, %transpose3A_495, %dot_general3A_496 {dimension_numbers = #tpu.dot_dimension_numbers<[1], [0], [0], [1], [0, 0, 1, 1], [], []>, precision = #tpu.contract_precision<fp32>, transpose_lhs_hint = false} : vector<512x64xf32>, vector<64x16xf32>, vector<512x16xf32> -> vector<512x16xf32>
    %add3A_498 = arith.addf %dot_general3A_494, %dot_general3A_497 : vector<512x16xf32>
    %add3A_499 = vector.broadcast %add3A_466 : vector<1x16xf32> to vector<512x16xf32>
    %add3A_500 = arith.addf %add3A_498, %add3A_499 : vector<512x16xf32>
    %swap3A_501 = arith.constant 1 : index
    %swap3A_502 = arith.constant 0 : index
    %swap3A_503 = arith.constant 0 : index
    %swap3A_504 = vector.load %arg16[%swap3A_501, %swap3A_502, %swap3A_503] : memref<2x512x16xf32, #tpu.memory_space<vmem>>, vector<1x512x16xf32>
    %swap3A_505 = vector.shape_cast %swap3A_504 : vector<1x512x16xf32> to vector<512x16xf32>
    %swap3A_506 = vector.shape_cast %add3A_500 : vector<512x16xf32> to vector<1x512x16xf32>
    tpu.vector_store %arg16[%swap3A_501, %swap3A_502, %swap3A_503], %swap3A_506 {strides = array<i32>} : memref<2x512x16xf32, #tpu.memory_space<vmem>>, vector<1x512x16xf32>,
    %dot_general3A_507 = arith.constant dense<0.000000e+00> : vector<512x16xf32>
    %dot_general3A_508 = tpu.matmul %mul3A_231, %dot_general3A_450, %dot_general3A_507 {dimension_numbers = #tpu.dot_dimension_numbers<[1], [0], [0], [1], [0, 0, 1, 1], [], []>, precision = #tpu.contract_precision<fp32>, transpose_lhs_hint = false} : vector<512x64xf32>, vector<64x16xf32>, vector<512x16xf32> -> vector<512x16xf32>
    %transpose3A_509 = tpu.transpose %get3A_425, [1, 0] : vector<16x64xf32> -> vector<64x16xf32>
    %dot_general3A_510 = arith.constant dense<0.000000e+00> : vector<512x16xf32>
    %dot_general3A_511 = tpu.matmul %mul3A_398, %transpose3A_509, %dot_general3A_510 {dimension_numbers = #tpu.dot_dimension_numbers<[1], [0], [0], [1], [0, 0, 1, 1], [], []>, precision = #tpu.contract_precision<fp32>, transpose_lhs_hint = false} : vector<512x64xf32>, vector<64x16xf32>, vector<512x16xf32> -> vector<512x16xf32>
    %add3A_512 = arith.addf %dot_general3A_508, %dot_general3A_511 : vector<512x16xf32>
    %swap3A_513 = arith.constant 1 : index
    %swap3A_514 = arith.constant 0 : index
    %swap3A_515 = arith.constant 0 : index
    %swap3A_516 = vector.load %arg17[%swap3A_513, %swap3A_514, %swap3A_515] : memref<2x512x16xf32, #tpu.memory_space<vmem>>, vector<1x512x16xf32>
    %swap3A_517 = vector.shape_cast %swap3A_516 : vector<1x512x16xf32> to vector<512x16xf32>
    %swap3A_518 = vector.shape_cast %add3A_512 : vector<512x16xf32> to vector<1x512x16xf32>
    tpu.vector_store %arg17[%swap3A_513, %swap3A_514, %swap3A_515], %swap3A_518 {strides = array<i32>} : memref<2x512x16xf32, #tpu.memory_space<vmem>>, vector<1x512x16xf32>,
    return
  }
}

module attributes {stable_mosaic.version = 14 : i64} {
  func.func @_e_kernel(%arg0: i32, %arg1: memref<8192x128xf32, #tpu.memory_space<vmem>>, %arg2: memref<128x128xf32, #tpu.memory_space<vmem>>, %arg3: memref<128x128xf32, #tpu.memory_space<vmem>>, %arg4: memref<128x128xf32, #tpu.memory_space<vmem>>, %arg5: memref<1x64x128xf32, #tpu.memory_space<vmem>>, %arg6: memref<8192x128xf32, #tpu.memory_space<vmem>>) attributes {dimension_semantics = [#tpu.dimension_semantics<arbitrary>], iteration_bounds = array<i64: 8>, scalar_prefetch = 0 : i64, scratch_operands = 0 : i64, tpu.core_type = #tpu.core_type<tc>, window_params = [{transform_indices = @transform_0, window_bounds = array<i64: 8192, 128>}, {pipeline_mode = #tpu.pipeline_mode<synchronous>, transform_indices = @transform_1, window_bounds = array<i64: 128, 128>}, {pipeline_mode = #tpu.pipeline_mode<synchronous>, transform_indices = @transform_2, window_bounds = array<i64: 128, 128>}, {transform_indices = @transform_3, window_bounds = array<i64: 128, 128>}, {transform_indices = @transform_4, window_bounds = array<i64: 1, 64, 128>}, {transform_indices = @transform_5, window_bounds = array<i64: 8192, 128>}]} {
    %get3A = arith.constant 0 : index
    %get3A_0 = arith.constant 0 : index
    %get3A_1 = vector.load %arg1[%get3A, %get3A_0] : memref<8192x128xf32, #tpu.memory_space<vmem>>, vector<8192x128xf32>
    %get3A_2 = arith.constant 0 : index
    %get3A_3 = arith.constant 0 : index
    %get3A_4 = vector.load %arg2[%get3A_2, %get3A_3] : memref<128x128xf32, #tpu.memory_space<vmem>>, vector<128x128xf32>
    %dot_general3A = arith.constant dense<0.000000e+00> : vector<8192x128xf32>
    %dot_general3A_5 = tpu.matmul %get3A_1, %get3A_4, %dot_general3A {dimension_numbers = #tpu.dot_dimension_numbers<[1], [0], [0], [1], [0, 0, 1, 1], [], []>, transpose_lhs_hint = false} : vector<8192x128xf32>, vector<128x128xf32>, vector<8192x128xf32> -> vector<8192x128xf32>
    %mul3A = arith.mulf %get3A_1, %get3A_1 : vector<8192x128xf32>
    %dot_general3A_6 = arith.constant dense<0.000000e+00> : vector<8192x128xf32>
    %dot_general3A_7 = tpu.matmul %mul3A, %get3A_4, %dot_general3A_6 {dimension_numbers = #tpu.dot_dimension_numbers<[1], [0], [0], [1], [0, 0, 1, 1], [], []>, transpose_lhs_hint = false} : vector<8192x128xf32>, vector<128x128xf32>, vector<8192x128xf32> -> vector<8192x128xf32>
    %mul3A_8 = arith.mulf %dot_general3A_5, %dot_general3A_5 : vector<8192x128xf32>
    %sub3A = arith.subf %dot_general3A_7, %mul3A_8 : vector<8192x128xf32>
    %add3A = arith.constant 9.99999974E-6 : f32
    %add3A_9 = vector.broadcast %add3A : f32 to vector<8192x128xf32>
    %add3A_10 = arith.addf %sub3A, %add3A_9 : vector<8192x128xf32>
    %rsqrt3A = math.rsqrt %add3A_10 : vector<8192x128xf32>
    %sub3A_11 = arith.subf %get3A_1, %dot_general3A_5 : vector<8192x128xf32>
    %mul3A_12 = arith.mulf %sub3A_11, %rsqrt3A : vector<8192x128xf32>
    %get3A_13 = arith.constant 0 : index
    %get3A_14 = arith.constant 0 : index
    %get3A_15 = vector.load %arg3[%get3A_13, %get3A_14] : memref<128x128xf32, #tpu.memory_space<vmem>>, vector<128x128xf32>
    %dot_general3A_16 = arith.constant dense<0.000000e+00> : vector<8192x128xf32>
    %dot_general3A_17 = tpu.matmul %mul3A_12, %get3A_15, %dot_general3A_16 {dimension_numbers = #tpu.dot_dimension_numbers<[1], [0], [0], [1], [0, 0, 1, 1], [], []>, transpose_lhs_hint = false} : vector<8192x128xf32>, vector<128x128xf32>, vector<8192x128xf32> -> vector<8192x128xf32>
    %reshape3A = vector.shape_cast %dot_general3A_17 : vector<8192x128xf32> to vector<128x64x128xf32>
    %get3A_18 = arith.constant 0 : index
    %get3A_19 = arith.constant 0 : index
    %get3A_20 = vector.load %arg4[%get3A_18, %get3A_19] : memref<128x128xf32, #tpu.memory_space<vmem>>, vector<128x128xf32>
    %broadcast_in_dim3A = vector.shape_cast %get3A_20 : vector<128x128xf32> to vector<128x1x128xf32>
    %add3A_21 = vector.broadcast %broadcast_in_dim3A : vector<128x1x128xf32> to vector<128x64x128xf32>
    %add3A_22 = arith.addf %reshape3A, %add3A_21 : vector<128x64x128xf32>
    %get3A_23 = arith.constant 0 : index
    %get3A_24 = arith.constant 0 : index
    %get3A_25 = arith.constant 0 : index
    %get3A_26 = vector.load %arg5[%get3A_23, %get3A_24, %get3A_25] : memref<1x64x128xf32, #tpu.memory_space<vmem>>, vector<1x64x128xf32>
    %add3A_27 = vector.broadcast %get3A_26 : vector<1x64x128xf32> to vector<128x64x128xf32>
    %add3A_28 = arith.addf %add3A_22, %add3A_27 : vector<128x64x128xf32>
    %reshape3A_29 = vector.shape_cast %add3A_28 : vector<128x64x128xf32> to vector<8192x128xf32>
    %swap3A = arith.constant 0 : index
    %swap3A_30 = arith.constant 0 : index
    %swap3A_31 = vector.load %arg6[%swap3A, %swap3A_30] : memref<8192x128xf32, #tpu.memory_space<vmem>>, vector<8192x128xf32>
    tpu.vector_store %arg6[%swap3A, %swap3A_30], %reshape3A_29 {strides = array<i32>} : memref<8192x128xf32, #tpu.memory_space<vmem>>, vector<8192x128xf32>,
    return
  }
  func.func @transform_0(%arg0: i32) -> (i32, i32) {
    %c0_i32 = arith.constant 0 : i32
    %c0_i32_0 = arith.constant 0 : i32
    return %arg0, %c0_i32 : i32, i32
  }
  func.func @transform_1(%arg0: i32) -> (i32, i32) {
    %c0_i32 = arith.constant 0 : i32
    %c0_i32_0 = arith.constant 0 : i32
    %c0_i32_1 = arith.constant 0 : i32
    return %c0_i32, %c0_i32_0 : i32, i32
  }
  func.func @transform_2(%arg0: i32) -> (i32, i32) {
    %c0_i32 = arith.constant 0 : i32
    %c0_i32_0 = arith.constant 0 : i32
    %c0_i32_1 = arith.constant 0 : i32
    return %c0_i32, %c0_i32_0 : i32, i32
  }
  func.func @transform_3(%arg0: i32) -> (i32, i32) {
    %c0_i32 = arith.constant 0 : i32
    %c0_i32_0 = arith.constant 0 : i32
    return %arg0, %c0_i32 : i32, i32
  }
  func.func @transform_4(%arg0: i32) -> (i32, i32, i32) {
    %jit3A = arith.constant 4 : i32
    %div3A = arith.divsi %arg0, %jit3A : i32
    %sign3A = arith.constant 0 : i32
    %sign3A_0 = arith.cmpi sgt, %arg0, %sign3A : i32
    %sign3A_1 = arith.extui %sign3A_0 : i1 to i32
    %sign3A_2 = arith.constant 0 : i32
    %sign3A_3 = arith.cmpi slt, %arg0, %sign3A_2 : i32
    %sign3A_4 = arith.extui %sign3A_3 : i1 to i32
    %sign3A_5 = arith.subi %sign3A_1, %sign3A_4 : i32
    %sign3A_6 = arith.constant 0 : i32
    %sign3A_7 = arith.cmpi sgt, %jit3A, %sign3A_6 : i32
    %sign3A_8 = arith.extui %sign3A_7 : i1 to i32
    %sign3A_9 = arith.constant 0 : i32
    %sign3A_10 = arith.cmpi slt, %jit3A, %sign3A_9 : i32
    %sign3A_11 = arith.extui %sign3A_10 : i1 to i32
    %sign3A_12 = arith.subi %sign3A_8, %sign3A_11 : i32
    %ne3A = arith.cmpi ne, %sign3A_5, %sign3A_12 : i32
    %rem3A = arith.remsi %arg0, %jit3A : i32
    %ne3A_13 = arith.constant 0 : i32
    %ne3A_14 = arith.cmpi ne, %rem3A, %ne3A_13 : i32
    %and3A = arith.andi %ne3A, %ne3A_14 : i1
    %sub3A = arith.constant 1 : i32
    %sub3A_15 = arith.subi %div3A, %sub3A : i32
    %select_n3A = arith.select %and3A, %sub3A_15, %div3A : i32
    %c0_i32 = arith.constant 0 : i32
    %c0_i32_16 = arith.constant 0 : i32
    %c0_i32_17 = arith.constant 0 : i32
    return %select_n3A, %c0_i32, %c0_i32_16 : i32, i32, i32
  }
  func.func @transform_5(%arg0: i32) -> (i32, i32) {
    %c0_i32 = arith.constant 0 : i32
    %c0_i32_0 = arith.constant 0 : i32
    return %arg0, %c0_i32 : i32, i32
  }
}

</mosaic_0001>

<sc_bundles>
// kernel: sparse-core-data-format-call.cloned.1.call-start
scs
called_computation_lowered:
.L_overlay_start_0:
0x0: {  	s2 =	sld [smem:$0x3FD9]  }
0x1: {  	s3 =	sld [smem:$0x3FFE];
	_ =	sdelay $0x1  }
0x2: {  	s1 =	srdreg.scid  }
0x3: {  	s0 =	sand.u32 $0x1, s1  }
0x4: {  	s15 =	sshll.u32 s0, $0xA;
	s2 =	sadd.s32 s3, s2  }
0x5: {  	s2 =	sadd.s32 s2, s15  }
0x6: {  	[smem:$0x3FB8] =	sst s2  }
0x7: {  	_ = 	snop  }
0x8: {  	s2 =	sld [smem:$0x3FD0];
	_ =	sdelay $0x2  }
0x9: {  	s16 =	simm.s32 $0xA;
	s4 =	simm.s32 $0x10  }
0xa: {  	[smem:s4], [sflag:s16] =	dma.local [hbm:s2], $0x1  }
0xb: {  	_ =	swait.eq [sflag:s16], $0x1  }
0xc: {  	[sflag:s16] =	ssyncset.done $0x0  }
0xd: {  	[sflag:s16] =	ssyncadd.s32 $0xFFFFFFFF  }
0xe: {  	s17 =	sld [smem:$0x11];
	(tm) =	ssettm $0x1  }
0xf: {  	s18 =	sld [smem:$0x3FFB];
	_ =	sdelay $0x3  }
0x10: {  	_ =	strace s18  }
0x11: {  	s3 =	sld [smem:$0x3FFC];
	_ =	sdelay $0x3  }
0x12: {  	_ =	strace s3  }
0x13: {  	s3 =	sld [smem:$0x3FFD];
	_ =	sdelay $0x3  }
0x14: {  	_ =	strace s3  }
0x15: {  	_ =	strace $0x8FFFFFFF  }
0x16: {  	s19 =	sld [smem:$0x3FDB];
	_ =	sdelay $0x1  }
0x17: {  	s20 =	simm.s32 $_scs_section_size  }
0x18: {  	s5 =	simm.s32 $_size__tile_overlayer_lowered;
	s6 =	simm.s32 $_tile_overlayer_lowered  }
0x19: {  	s23 =	simm.s32 $0x1BFF;
	s22 =	sshll.u32 s6, $0x1;
	s3 =	sadd.s32 s20, s19  }
0x1a: {  	s7 =	simm.s32 $0x0;
	s21 =	sshll.u32 s5, $0x1;
	s5 =	sadd.s32 s22, s3  }
0x1b: {  	[timem:s7], [sflag:s23] =	dma.local [hbm:s5], s21  }
0x1c: {  	_ =	swait.ge [sflag:s23], s21  }
0x1d: {  	s4 =	ssub.s32 $0x0, s21;
	[sflag:s23] =	ssyncset.done $0x0  }
0x1e: {  	[sflag:s23] =	ssyncadd.s32 s4;
	_ =	sdelay $0x1  }
0x1f: {  	s24 =	simm.s32 $0x1B8B  }
0x20: {  	_ =	swait.ge [sflag:s24], $0x1  }
0x21: {  	[sflag:s24] =	ssyncset.done $0x0  }
0x22: {  	s26 =	simm.s32 $0x1B8E;
	s25 =	sld [smem:$0x3FFE];
	[sflag:s24] =	ssyncadd.s32 $0xFFFFFFFF  }
0x23: {  	s27 =	simm.s32 $execute0_lowered;
	[smem:$0x3FD2] =	sst s26  }
0x24: {  	s5 =	sshll.u32 s27, $0x1;
	_ =	strace $0x80000046;
	[dreg:$0x1] =	wrdreg $0xFFFFFFFF  }
0x25: {  	s28 =	simm.s32 $_size_execute0_lowered;
	s3 =	sadd.s32 s3, s5;
	[dreg:$0x0] =	wrdreg $0x0  }
0x26: {  	s5 =	sshll.u32 s28, $0x1;
	[dreg:$0x2] =	wrdreg s3  }
0x27: {  	[dreg:$0x3] =	wrdreg s5  }
0x28: {  	[dreg:$0x4] =	wrdreg $0xC0  }
0x29: {  	_ =	task [dreg:s7], $0x5FFFF  }
0x2a: {  	[dreg:$0x1] =	wrdreg $0xFFFFFFFF  }
0x2b: {  	[dreg:$0x0] =	wrdreg $0x60  }
0x2c: {  	[dreg:$0x2] =	wrdreg s25  }
0x2d: {  	[dreg:$0x3] =	wrdreg s17  }
0x2e: {  	[dreg:$0x4] =	wrdreg $0x9  }
0x2f: {  	_ =	task.clear_ibuf [dreg:s7], $0x5FFFF;
	_ =	strace $0x90000046  }
0x30: {  	s29 =	simm.s32 $0x9;
	_ =	strace $0x80000048  }
0x31: {  	_ =	swait.ge [sflag:s29], $0x1  }
0x32: {  	[sflag:s29] =	ssyncadd.s32 $0xFFFFFFFF  }
0x33: {  	_ =	strace $0x90000048  }
0x34: {  	_ =	sfence  }
0x35: {  	s30 =	sld [smem:$0x0];
	_ =	sdelay $0x2  }
0x36: {  	s31 =	sshll.u32 s1, $0xD;
	s1 =	sshrl.u32 s1, $0x2  }
0x37: {  	s3 =	sand.u32 $0x4000, s31;
	s1 =	sadd.s32 s1, s30  }
0x38: {  	s0 =	sor.u32 s3, s0;
	s1 =	sshll.u32 s1, $0x11  }
0x39: {  	s0 =	sor.u32 s1, s0  }
0x3a: {  	s0 =	sadd.s32 $0x8F2B, s0  }
0x3b: {  	[sflag:s0] =	ssyncadd.remote.s32 $0x1  }
0x3c: {  	_ =	sfence.sel $0xFFFF  }
0x3d: {  	[dreg:$0x0] =	wrdreg $0xFFFFFFFF;
	(pc) =	sbr.abs _section_cstart, $3  }
0x3e: {  	[dreg:$0x1] =	wrdreg $0xFFFFFFFF  }
0x3f: {  	_ =	task.clear_ibuf [dreg:s7], $0x2FFFF;
	_ =	strace $0x9FFFFFFF  }
0x40: {  	(tm) =	ssettm $0x7FFFFFFF  }
0x41: {  	_ =	shalt  }
tec
execute0_lowered:
.L_overlay_start_1:
0x0: {  	(tag) =	ssettag $0x1  }
0x1: {  	s14 =	rddreg [dreg:$0x0]  }
0x2: {  	s2 =	rddreg [dreg:$0x1];
	s1 =	stileid.u32  }
0x3: {  	s3 =	srdreg.scid;
	s0 =	rddreg [dreg:$0x2]  }
0x4: {  	_ =	strace $0x80000047;
	s6 =	simm.s32 $0x1;
	s11 =	simm.s32 $0x2  }
0x5: {  	s21 =	simm.s32 $0x0;
	s16 =	simm.s32 $0x1000;
	s22 =	simm.s32 $0x0  }
0x6: {  	s23 =	simm.s32 $0x0;
	s4 =	sshll.u32 s1, $0x2;
	s3 =	sshll.u32 s3, $0x6  }
0x7: {  	s17 =	simm.s32 $0x0;
	s20 =	simm.s32 $0x0;
	s4 =	sor.u32 s4, s3  }
0x8: {  	s5 =	sand.u32 $0x1, s1;
	s13 =	sadd.s32 $0x112E00, s14;
	s4 =	sand.u32 $0x78, s4  }
0x9: {  	[sflag:s6] =	ssyncpa.u1 $0x0;
	s3 =	sadd.s32 $0x106E00, s14;
	s7 =	ssub.s32 $0x200, s4  }
0xa: {  	s8 =	ssub.s32 $0x2, s5;
	[sflag:s11] =	ssyncpa.u1 $0x0;
	s9 =	sand.u32 $0x78, s7  }
0xb: {  	s10 =	sshrl.u32 s8, $0x1;
	p0 =	sne.s32 s9, $0x0;
	s9 =	simm.s32 $0x1  }
0xc: {  	s8 =	sand.u32 $0x1, s8;
	s7 =	sshrl.u32 s7, $0x7;
	s9 =	simm.s32 @!p0 $0x0  }
.Ltmp0:
0xd: {  	s8 =	sadd.s32 s8, s10;
	s7 =	sadd.s32 s9, s7;
	(pc) =	sbr.rel .LBB1_1-.Ltmp0, $4  }
0xe: {  	s19 =	smov.u32 s5;
	s10 =	sadd.s32 $0x10EE00, s14;
	s12 =	smul.u32 s7, s8  }
0xf: {  	s18 =	smov.u32 s4;
	p0 =	por $0x0, $0x0;
	s9 =	sadd.s32 $0x10CE00, s14  }
0x10: {  	s7 =	sadd.s32 $0x108E00, s14;
	s8 =	sadd.s32 $0x10AE00, s14;
	s11 =	sshll.u32 s12, $0x2  }
0x11: {  	s12 =	sadd.s32 $0x110E00, s14;
	s14 =	sadd.s32 $0x114E00, s14;
	s15 =	sor.u32 $0x1, s11  }
.LBB1_7:
0x12: {  	s24 =	sadd.s32 $0x80, s17  }
0x13: {  	s21 =	sadd.s32 $0x80, s18;
	s25 =	smov.u32 s18;
	p2 =	sgt.s32 s24, $0x1FF  }
0x14: {  	s25 =	smov.u32 @p2 s21  }
0x15: {  	s27 =	smov.u32 s19;
	s21 =	sadd.s32 $0x2, s19;
	p3 =	sgt.s32 s25, $0x1FF  }
0x16: {  	s27 =	smov.u32 @p3 s21  }
0x17: {  	s24 =	simm.s32 @p2 $0x0;
	p2 =	sgt.s32 s27, $0x1  }
0x18: {  	p1 =	slt.u32 s20, $0x2;
	s27 =	smov.u32 @p2 s5;
	p2 =	sne.s32 s20, s15  }
.Ltmp1:
0x19: {  	s26 =	simm.s32 @!p1 $0x2;
	(pc) =	sbr.rel @!p2 .LBB1_8-.Ltmp1, $4  }
0x1a: {  	s22 =	smov.u32 s18;
	s23 =	smov.u32 s19;
	_ =	swait.ge @!p1 [sflag:s26], $0x4000  }
0x1b: {  	p0 =	por !p0, !p0;
	[sflag:s26] =	ssyncset.done @!p1 $0x0;
	s25 =	smov.u32 @p3 s4  }
0x1c: {  	s21 =	smov.u32 s17;
	[sflag:s26] =	ssyncadd.s32 @!p1 $0xFFFFC000;
	s17 =	smov.u32 s24  }
0x1d: {  	s18 =	smov.u32 s25;
	s20 =	sadd.s32 $0x1, s20;
	s19 =	smov.u32 s27  }
.LBB1_1:
0x1e: {  	p1 =	sge.u32 s20, s11  }
0x1f: {  	s24 =	sxor.u32 @!p1 $0xFFFFFFFF, s20;
	s25 =	sshll.u32 @!p1 s19, $0x16;
	s26 =	sshll.u32 @!p1 s18, $0xD  }
0x20: {  	s28 =	sshll.u32 @!p1 s17, $0x4;
	s29 =	simm.s32 @!p1 $0x10;
	s27 =	sadd.s32 @!p1 s25, s26  }
0x21: {  	s24 =	sshll.u32 @!p1 s24, $0xE;
	s28 =	sand.u32 @!p1 $0x1FF0, s28;
	s27 =	sadd.s32 @!p1 s3, s27  }
0x22: {  	s30 =	simm.s32 @!p1 $0x80;
	s24 =	sand.u32 @!p1 $0x4000, s24;
	s27 =	sadd.s32 @!p1 s28, s27  }
0x23: {  	[tilespmem:s24], [sflag:$0x1] =	stream.strided.gather @!p1 [hbm4b:s27+s29], $0x800, s30, s29, $0x38;
	[tilespmem:$0x10100] =	vst v63  }
0x24: {  	s27 =	sadd.s32 @!p1 s25, s7  }
0x25: {  	s27 =	sadd.s32 @!p1 s26, s27  }
0x26: {  	s31 =	sor.u32 @!p1 $0x800, s24;
	s27 =	sadd.s32 @!p1 s28, s27  }
0x27: {  	[tilespmem:s31], [sflag:$0x1] =	stream.strided.gather @!p1 [hbm4b:s27+s29], $0x800, s30, s29, $0x38;
	[tilespmem:$0x10100] =	vst v63  }
0x28: {  	s27 =	sadd.s32 @!p1 s25, s8  }
0x29: {  	s27 =	sadd.s32 @!p1 s26, s27  }
0x2a: {  	s31 =	sor.u32 @!p1 $0x1000, s24;
	s27 =	sadd.s32 @!p1 s28, s27  }
0x2b: {  	[tilespmem:s31], [sflag:$0x1] =	stream.strided.gather @!p1 [hbm4b:s27+s29], $0x800, s30, s29, $0x38;
	[tilespmem:$0x10100] =	vst v63  }
0x2c: {  	s27 =	sadd.s32 @!p1 s25, s9  }
0x2d: {  	s27 =	sadd.s32 @!p1 s26, s27  }
0x2e: {  	s31 =	sor.u32 @!p1 $0x1800, s24;
	s27 =	sadd.s32 @!p1 s28, s27  }
0x2f: {  	[tilespmem:s31], [sflag:$0x1] =	stream.strided.gather @!p1 [hbm4b:s27+s29], $0x800, s30, s29, $0x38;
	[tilespmem:$0x10100] =	vst v63  }
0x30: {  	s27 =	sadd.s32 @!p1 s25, s10  }
0x31: {  	s27 =	sadd.s32 @!p1 s26, s27  }
0x32: {  	s31 =	sor.u32 @!p1 $0x2000, s24;
	s27 =	sadd.s32 @!p1 s28, s27  }
0x33: {  	[tilespmem:s31], [sflag:$0x1] =	stream.strided.gather @!p1 [hbm4b:s27+s29], $0x800, s30, s29, $0x38;
	[tilespmem:$0x10100] =	vst v63  }
0x34: {  	s27 =	sadd.s32 @!p1 s25, s12  }
0x35: {  	s27 =	sadd.s32 @!p1 s26, s27  }
0x36: {  	s31 =	sor.u32 @!p1 $0x2800, s24;
	s27 =	sadd.s32 @!p1 s28, s27  }
0x37: {  	[tilespmem:s31], [sflag:$0x1] =	stream.strided.gather @!p1 [hbm4b:s27+s29], $0x800, s30, s29, $0x38;
	[tilespmem:$0x10100] =	vst v63  }
0x38: {  	s27 =	sadd.s32 @!p1 s25, s13  }
0x39: {  	s25 =	sadd.s32 @!p1 s25, s14;
	s27 =	sadd.s32 @!p1 s26, s27  }
0x3a: {  	s31 =	sor.u32 @!p1 $0x3000, s24;
	s25 =	sadd.s32 @!p1 s26, s25;
	s27 =	sadd.s32 @!p1 s28, s27  }
0x3b: {  	[tilespmem:s31], [sflag:$0x1] =	stream.strided.gather @!p1 [hbm4b:s27+s29], $0x800, s30, s29, $0x38;
	[tilespmem:$0x10100] =	vst v63  }
0x3c: {  	s24 =	sor.u32 @!p1 $0x3800, s24;
	s25 =	sadd.s32 @!p1 s28, s25;
	s31 =	sadd.s32 $0xFFFFFFFF, s20  }
0x3d: {  	[tilespmem:s24], [sflag:$0x1] =	stream.strided.gather @!p1 [hbm4b:s25+s29], $0x800, s30, s29, $0x38;
	[tilespmem:$0x10100] =	vst v63  }
0x3e: {  	p1 =	sge.u32 s31, s11  }
.Ltmp2:
0x3f: {  	_ = 	snop;
	(pc) =	sbr.rel @p1 .LBB1_7-.Ltmp2, $1  }
0x40: {  	_ =	sdelay $0x3  }
0x41: {  	s24 =	simm.s32 $0x1;
	s26 =	sand.u32 $0x1, s20  }
0x42: {  	_ =	swait.ge [sflag:s6], $0x4000;
	s24 =	simm.s32 @!p0 $0x0;
	s27 =	smul.u32 $0x10200, s26  }
0x43: {  	[sflag:s6] =	ssyncset.done $0x0;
	s25 =	smul.u32 $0x10200, s24  }
0x44: {  	s24 =	sshll.u32 s24, $0xE;
	[sflag:s6] =	ssyncadd.s32 $0xFFFFC000  }
0x45: {  	s26 =	sor.u32 $0x40, s24;
	s31 =	sshrl.u32 s27, $0x2;
	s25 =	sshrl.u32 s25, $0x2  }
0x46: {  	s27 =	simm.s32 $0x0;
	s24 =	sor.u32 $0x8000, s31;
	s25 =	sor.u32 $0x8007, s25  }
.LBB1_3:
0x47: {  	v3 =	vld [tilespmem:s26+$0x30]  }
0x48: {  	v4 =	vld [tilespmem:s26+$0xFFFFFFD0]  }
0x49: {  	v5 =	vld [tilespmem:s26+$0xFFFFFFE0]  }
0x4a: {  	v1 =	vld [tilespmem:s26+$0xFFFFFFF0]  }
0x4b: {  	v0 =	vld [tilespmem:s26+$0x0]  }
0x4c: {  	v2 =	vld [tilespmem:s26+$0x10];
	[tilespmem:s25+$0x0 ss:$0x81] =	vst.msk $0xffff, v3  }
0x4d: {  	[tilespmem:s25+$0xFFFFFFFA ss:$0x81] =	vst.msk $0xffff, v4;
	v4 =	vld [tilespmem:s26+$0x20]  }
0x4e: {  	s29 =	simm.s32 $0x0;
	s30 =	sadd.s32 $0x80, s26;
	s28 =	smov.u32 s25;
	v3 =	vld [tilespmem:s26+$0xFFFFFFC0];
	[tilespmem:s25+$0xFFFFFFFB ss:$0x81] =	vst.msk $0xffff, v5  }
.LBB1_4:
0x4f: {  	v5 =	vld [tilespmem:s30+$0x30];
	s29 =	sadd.s32 $0x8, s29;
	[tilespmem:s28+$0xFFFFFFFC ss:$0x81] =	vst.msk $0xffff, v1  }
0x50: {  	v6 =	vld [tilespmem:s30+$0xFFFFFFD0];
	p1 =	slt.u32 s29, $0x78;
	[tilespmem:s28+$0xFFFFFFFD ss:$0x81] =	vst.msk $0xffff, v0  }
0x51: {  	v7 =	vld [tilespmem:s30+$0xFFFFFFE0];
	[tilespmem:s28+$0xFFFFFFFE ss:$0x81] =	vst.msk $0xffff, v2  }
.Ltmp3:
0x52: {  	v1 =	vld [tilespmem:s30+$0xFFFFFFF0];
	[tilespmem:s28+$0xFFFFFFFF ss:$0x81] =	vst.msk $0xffff, v4;
	(pc) =	sbr.rel @p1 .LBB1_4-.Ltmp3, $4  }
0x53: {  	v0 =	vld [tilespmem:s30+$0x0];
	[tilespmem:s28+$0xFFFFFFF9 ss:$0x81] =	vst.msk $0xffff, v3;
	s28 =	sadd.s32 $0x8, s28  }
0x54: {  	v2 =	vld [tilespmem:s30+$0x10];
	[tilespmem:s28+$0x0 ss:$0x81] =	vst.msk $0xffff, v5  }
0x55: {  	[tilespmem:s28+$0xFFFFFFFA ss:$0x81] =	vst.msk $0xffff, v6;
	v4 =	vld [tilespmem:s30+$0x20]  }
0x56: {  	v3 =	vld [tilespmem:s30+$0xFFFFFFC0];
	[tilespmem:s28+$0xFFFFFFFB ss:$0x81] =	vst.msk $0xffff, v7;
	s30 =	sadd.s32 $0x80, s30  }
0x57: {  	s27 =	sadd.s32 $0x1, s27  }
0x58: {  	p1 =	sne.s32 s27, $0x8  }
.Ltmp4:
0x59: {  	[tilespmem:s28+$0xFFFFFFFC ss:$0x81] =	vst.msk $0xffff, v1;
	(pc) =	sbr.rel @p1 .LBB1_3-.Ltmp4, $4  }
0x5a: {  	[tilespmem:s28+$0xFFFFFFFD ss:$0x81] =	vst.msk $0xffff, v0  }
0x5b: {  	[tilespmem:s28+$0xFFFFFFFE ss:$0x81] =	vst.msk $0xffff, v2  }
0x5c: {  	[tilespmem:s28+$0xFFFFFFFF ss:$0x81] =	vst.msk $0xffff, v4  }
0x5d: {  	s25 =	sadd.s32 $0x810, s25;
	s26 =	sadd.s32 $0x800, s26;
	[tilespmem:s28+$0xFFFFFFF9 ss:$0x81] =	vst.msk $0xffff, v3  }
0x5e: {  	s23 =	sshll.u32 s23, $0x13;
	s25 =	sand.u32 $0x380, s21  }
.Ltmp5:
0x5f: {  	s22 =	sshll.u32 s22, $0xA;
	s23 =	sadd.s32 s2, s23;
	(pc) =	sbr.rel .LBB1_7-.Ltmp5, $4  }
0x60: {  	s26 =	sshrl.u32 s21, $0x3;
	s30 =	sand.u32 $0x7, s21;
	s22 =	sadd.s32 s22, s23  }
0x61: {  	s31 =	sand.u32 $0xF, s26;
	s21 =	sshll.u32 s30, $0x12;
	s22 =	sadd.s32 s25, s22  }
0x62: {  	s21 =	sor.u32 $0x400, s21;
	s22 =	sadd.s32 s31, s22  }
0x63: {  	[hbm4b:s22+s21] =	stream.strided.scatter [tilespmem:s24], [sflag:$0x2], $0x4000, s16, s21, $0x20;
	[tilespmem:$0x10100] =	vst v63  }
.LBB1_8:
0x64: {  	_ =	sfence.sel $0x180000  }
0x65: {  	s2 =	simm.s32 $0x1;
	[bflag:$0x0] =	sbarrier.arrive $0xFFFF  }
0x66: {  	s31 =	simm.s32 $0x2;
	[sflag:s2] =	ssyncpa.u1 $0x1  }
0x67: {  	[sflag:s31] =	ssyncpa.u1 $0x1  }
0x68: {  	p0 =	sne.s32 s1, $0x0;
	_ =	strace $0x90000047  }
0x69: {  	s0 =	sadd.s32 @!p0 $0x100000, s0;
	[bflag:$0x2] =	sbarrier.arrive $0xFFFF  }
0x6a: {  	[sflag:s0] =	ssyncadd.tile.s32 @!p0 $0x1;
	_ =	shalt  }
.Lfunc_end1:
_tile_overlayer_lowered:
.L_overlay_start_2:
0x6b: {  	(tag) =	ssettag $0x2  }
0x6c: {  	s0 =	rddreg [dreg:$0x0];
	s2 =	stileid.u32  }
0x6d: {  	s1 =	rddreg [dreg:$0x1];
	p0 =	sne.s32 s2, $0x0  }
0x6e: {  	s3 =	rddreg [dreg:$0x2];
	[bflag:$0x3] =	sbarrier.arrive $0xFFFF;
	s2 =	simm.s32 @!p0 $0x1C01  }
0x6f: {  	[timem:s3], [sflag:s2] =	dma.local @!p0 [hbm:s0], s1  }
0x70: {  	s0 =	simm.s32 @!p0 $0x1  }
0x71: {  	_ =	swait.ge @!p0 [sflag:s0], s1  }
0x72: {  	s1 =	ssub.s32 @!p0 $0x0, s1;
	[sflag:s0] =	ssyncset.done @!p0 $0x0  }
0x73: {  	[sflag:s0] =	ssyncadd.s32 @!p0 s1  }
0x74: {  	[bflag:$0x3] =	sbarrier.arrive $0xFFFF  }
0x75: {  	_ =	shalt  }

</sc_bundles>
